<compile_context>
chip_gen: v7x
topology: tpu7x:2x2x1
jax: 0.10.2.dev20260603
libtpu: 0.0.44.dev20260713+nightly
codegen_flags: <defaults>
</compile_context>

<pallas_src>
import functools

import jax
import jax.numpy as jnp
from jax import lax
from jax.experimental import pallas as pl
from jax.experimental.pallas import tpu as pltpu
from jax.experimental.pallas import tpu_sc as plsc

NUM_CORES = 2
NUM_SUBCORES = 16
NUM_WORKERS = NUM_CORES * NUM_SUBCORES

CHUNK = 400
NBUF = 2


def _body(idx_hbm, table_hbm, out_hbm, *refs, b_per_w):
    idx_v = refs[0]
    bufs = refs[1:1 + NBUF]
    gsems = refs[1 + NBUF:1 + 2 * NBUF]
    ssems = refs[1 + 2 * NBUF:1 + 3 * NBUF]

    wid = lax.axis_index("s") * NUM_CORES + lax.axis_index("c")
    base = wid * b_per_w
    pltpu.sync_copy(idx_hbm.at[pl.ds(base, b_per_w)], idx_v)

    n = b_per_w // CHUNK

    def gather(j):
        b = j % NBUF
        return pltpu.make_async_copy(
            table_hbm.at[idx_v.at[pl.ds(j * CHUNK, CHUNK)]], bufs[b], gsems[b])

    def store(j):
        b = j % NBUF
        return pltpu.make_async_copy(
            bufs[b], out_hbm.at[pl.ds(base + j * CHUNK, CHUNK)], ssems[b])

    gather(0).start()
    for j in range(n):
        if j + 1 < n:
            if j + 1 - NBUF >= 0:
                store(j + 1 - NBUF).wait()
            gather(j + 1).start()
        gather(j).wait()
        store(j).start()
    for j in range(max(0, n - NBUF), n):
        store(j).wait()


def kernel(x, weight):
    n0, n1 = x.shape
    d = weight.shape[1]
    flat = x.T.reshape(-1).astype(jnp.int32)
    b = flat.shape[0]
    assert b % NUM_WORKERS == 0
    b_per_w = b // NUM_WORKERS
    assert b_per_w % CHUNK == 0

    mesh = plsc.VectorSubcoreMesh(core_axis_name="c", subcore_axis_name="s")
    scratch = (
        [pltpu.VMEM((b_per_w,), jnp.int32)]
        + [pltpu.VMEM((CHUNK, d), jnp.float32) for _ in range(NBUF)]
        + [pltpu.SemaphoreType.DMA for _ in range(2 * NBUF)]
    )
    k = pl.kernel(
        functools.partial(_body, b_per_w=b_per_w),
        out_type=jax.ShapeDtypeStruct((b, d), jnp.float32),
        mesh=mesh,
        scratch_types=scratch,
    )
    out = k(flat, weight)
    return out.reshape(n1, n0, d).transpose(1, 0, 2)

# --- scband reference (transcript-rebuilt; emitter-appended) ---
"""Pipeline reference for scband-embedding-11218454577780 (READ-ONLY COPY).

The authoritative reference and input builder live on the scoring server;
editing this copy changes nothing except your own understanding.
"""

import jax, jax.numpy as jnp
import numpy as np

NUM_EMBEDDINGS = 100000
EMBEDDING_DIM = 128

def setup_inputs(seed: int = 0) -> dict:
    key = jax.random.key(seed)
    k_idx, k_w = jax.random.split(key, 2)
    x = jax.random.randint(k_idx, (4096, 50), 0, NUM_EMBEDDINGS, dtype=jnp.int64 if jax.config.jax_enable_x64 else jnp.int32)
    weight = jax.random.normal(k_w, (NUM_EMBEDDINGS, EMBEDDING_DIM), dtype=jnp.float32) * 0.02
    return {"x": x, "weight": weight}

def reference(x, weight):
    # Embedding lookup: weight[x], arbitrary leading axes of indices.
    out = jnp.take(weight, x, axis=0).astype(jnp.float32)
    return out

if __name__ == "__main__":
    import jax
    _d = setup_inputs()
    print(jax.jit(kernel)(*tuple(_d.values())))

</pallas_src>

<mosaic_0001>
#map = affine_map<(d0, d1) -> (0)>
#map1 = affine_map<(d0, d1) -> (0, 0)>
module attributes {stable_mosaic.version = 14 : i64} {
  func.func @_body(%arg0: i32, %arg1: i32, %arg2: memref<204800xi32, #tpu.memory_space<hbm>>, %arg3: memref<100000x128xf32, #tpu.memory_space<hbm>>, %arg4: memref<204800x128xf32, #tpu.memory_space<hbm>>, %arg5: memref<6400xi32, #tpu.memory_space<vmem>>, %arg6: memref<400x128xf32, #tpu.memory_space<vmem>>, %arg7: memref<400x128xf32, #tpu.memory_space<vmem>>, %arg8: memref<!tpu.dma_semaphore, #tpu.memory_space<semaphore_mem>>, %arg9: memref<!tpu.dma_semaphore, #tpu.memory_space<semaphore_mem>>, %arg10: memref<!tpu.dma_semaphore, #tpu.memory_space<semaphore_mem>>, %arg11: memref<!tpu.dma_semaphore, #tpu.memory_space<semaphore_mem>>) attributes {dimension_semantics = [#tpu.dimension_semantics<core_parallel>, #tpu.dimension_semantics<subcore_parallel>], iteration_bounds = array<i64: 2, 16>, scalar_prefetch = 0 : i64, scratch_operands = 7 : i64, tpu.core_type = #tpu.core_type<sc_vector_subcore>, window_params = [{transform_indices = #map}, {transform_indices = #map1}, {transform_indices = #map1}]} {
    %mul3A = arith.constant 2 : i32
    %mul3A_0 = arith.muli %arg1, %mul3A : i32
    %add3A = arith.addi %mul3A_0, %arg0 : i32
    %mul3A_1 = arith.constant 6400 : i32
    %mul3A_2 = arith.muli %add3A, %mul3A_1 : i32
    "tpu.region"() ({
      %run_scoped3A = tpu.sem_alloc : memref<!tpu.dma_semaphore, #tpu.memory_space<semaphore_mem>>
      %dma_start3A_353 = tpu.memref_slice %arg2[%mul3A_2] : memref<204800xi32, #tpu.memory_space<hbm>> -> memref<6400xi32, #tpu.memory_space<hbm>>
      %dma_start3A_354 = tpu.memref_slice %arg2[%mul3A_2] : memref<204800xi32, #tpu.memory_space<hbm>> -> memref<6400xi32, #tpu.memory_space<hbm>>
      tpu.enqueue_dma source(%dma_start3A_354 : memref<6400xi32, #tpu.memory_space<hbm>>) target(%arg5 : memref<6400xi32, #tpu.memory_space<vmem>>) target_semaphore(%run_scoped3A : memref<!tpu.dma_semaphore, #tpu.memory_space<semaphore_mem>>)
      %dma_wait3A_355 = tpu.memref_slice %arg2[%mul3A_2] : memref<204800xi32, #tpu.memory_space<hbm>> -> memref<6400xi32, #tpu.memory_space<hbm>>
      %dma_wait3A_356 = tpu.memref_slice %arg2[%mul3A_2] : memref<204800xi32, #tpu.memory_space<hbm>> -> memref<6400xi32, #tpu.memory_space<hbm>>
      tpu.wait_dma2 semaphore(%run_scoped3A : memref<!tpu.dma_semaphore, #tpu.memory_space<semaphore_mem>>) src(%dma_wait3A_356 : memref<6400xi32, #tpu.memory_space<hbm>>) dst(%arg5 : memref<6400xi32, #tpu.memory_space<vmem>>)
      tpu.yield
    }) : () -> ()
    %dma_start3A = arith.constant 0 : i32
    %dma_start3A_3 = tpu.memref_slice %arg5[%dma_start3A] : memref<6400xi32, #tpu.memory_space<vmem>> -> memref<400xi32, #tpu.memory_space<vmem>>
    %dma_start3A_4 = arith.constant 0 : i32
    %dma_start3A_5 = arith.constant 0 : i32
    %dma_start3A_6 = tpu.memref_slice %arg3[%dma_start3A_4, %dma_start3A_5] : memref<100000x128xf32, #tpu.memory_space<hbm>> -> memref<100000x128xf32, #tpu.memory_space<hbm>>
    tpu.enqueue_indirect_dma source(%dma_start3A_6 : memref<100000x128xf32, #tpu.memory_space<hbm>>) target(%arg6 : memref<400x128xf32, #tpu.memory_space<vmem>>) offsets(%dma_start3A_3 : memref<400xi32, #tpu.memory_space<vmem>>) semaphore(%arg8 : memref<!tpu.dma_semaphore, #tpu.memory_space<semaphore_mem>>)
    %dma_start3A_7 = arith.constant 400 : i32
    %dma_start3A_8 = tpu.memref_slice %arg5[%dma_start3A_7] : memref<6400xi32, #tpu.memory_space<vmem>> -> memref<400xi32, #tpu.memory_space<vmem>>
    %dma_start3A_9 = arith.constant 0 : i32
    %dma_start3A_10 = arith.constant 0 : i32
    %dma_start3A_11 = tpu.memref_slice %arg3[%dma_start3A_9, %dma_start3A_10] : memref<100000x128xf32, #tpu.memory_space<hbm>> -> memref<100000x128xf32, #tpu.memory_space<hbm>>
    tpu.enqueue_indirect_dma source(%dma_start3A_11 : memref<100000x128xf32, #tpu.memory_space<hbm>>) target(%arg7 : memref<400x128xf32, #tpu.memory_space<vmem>>) offsets(%dma_start3A_8 : memref<400xi32, #tpu.memory_space<vmem>>) semaphore(%arg9 : memref<!tpu.dma_semaphore, #tpu.memory_space<semaphore_mem>>)
    %dma_wait3A = arith.constant 0 : i32
    %dma_wait3A_12 = tpu.memref_slice %arg5[%dma_wait3A] : memref<6400xi32, #tpu.memory_space<vmem>> -> memref<400xi32, #tpu.memory_space<vmem>>
    %dma_wait3A_13 = arith.constant 0 : i32
    %dma_wait3A_14 = arith.constant 0 : i32
    %dma_wait3A_15 = tpu.memref_slice %arg3[%dma_wait3A_13, %dma_wait3A_14] : memref<100000x128xf32, #tpu.memory_space<hbm>> -> memref<100000x128xf32, #tpu.memory_space<hbm>>
    tpu.wait_indirect_dma semaphore(%arg8 : memref<!tpu.dma_semaphore, #tpu.memory_space<semaphore_mem>>) src(%dma_wait3A_15 : memref<100000x128xf32, #tpu.memory_space<hbm>>) dst(%arg6 : memref<400x128xf32, #tpu.memory_space<vmem>>)
    %add3A_16 = arith.constant 0 : i32
    %add3A_17 = arith.addi %mul3A_2, %add3A_16 : i32
    %dma_start3A_18 = arith.constant 0 : i32
    %dma_start3A_19 = tpu.memref_slice %arg4[%add3A_17, %dma_start3A_18] : memref<204800x128xf32, #tpu.memory_space<hbm>> -> memref<400x128xf32, #tpu.memory_space<hbm>>
    %dma_start3A_20 = arith.constant 0 : i32
    %dma_start3A_21 = tpu.memref_slice %arg4[%add3A_17, %dma_start3A_20] : memref<204800x128xf32, #tpu.memory_space<hbm>> -> memref<400x128xf32, #tpu.memory_space<hbm>>
    tpu.enqueue_dma source(%arg6 : memref<400x128xf32, #tpu.memory_space<vmem>>) target(%dma_start3A_21 : memref<400x128xf32, #tpu.memory_space<hbm>>) target_semaphore(%arg10 : memref<!tpu.dma_semaphore, #tpu.memory_space<semaphore_mem>>)
    %add3A_22 = arith.constant 0 : i32
    %add3A_23 = arith.addi %mul3A_2, %add3A_22 : i32
    %dma_wait3A_24 = arith.constant 0 : i32
    %dma_wait3A_25 = tpu.memref_slice %arg4[%add3A_23, %dma_wait3A_24] : memref<204800x128xf32, #tpu.memory_space<hbm>> -> memref<400x128xf32, #tpu.memory_space<hbm>>
    %dma_wait3A_26 = arith.constant 0 : i32
    %dma_wait3A_27 = tpu.memref_slice %arg4[%add3A_23, %dma_wait3A_26] : memref<204800x128xf32, #tpu.memory_space<hbm>> -> memref<400x128xf32, #tpu.memory_space<hbm>>
    tpu.wait_dma2 semaphore(%arg10 : memref<!tpu.dma_semaphore, #tpu.memory_space<semaphore_mem>>) src(%arg6 : memref<400x128xf32, #tpu.memory_space<vmem>>) dst(%dma_wait3A_27 : memref<400x128xf32, #tpu.memory_space<hbm>>)
    %dma_start3A_28 = arith.constant 800 : i32
    %dma_start3A_29 = tpu.memref_slice %arg5[%dma_start3A_28] : memref<6400xi32, #tpu.memory_space<vmem>> -> memref<400xi32, #tpu.memory_space<vmem>>
    %dma_start3A_30 = arith.constant 0 : i32
    %dma_start3A_31 = arith.constant 0 : i32
    %dma_start3A_32 = tpu.memref_slice %arg3[%dma_start3A_30, %dma_start3A_31] : memref<100000x128xf32, #tpu.memory_space<hbm>> -> memref<100000x128xf32, #tpu.memory_space<hbm>>
    tpu.enqueue_indirect_dma source(%dma_start3A_32 : memref<100000x128xf32, #tpu.memory_space<hbm>>) target(%arg6 : memref<400x128xf32, #tpu.memory_space<vmem>>) offsets(%dma_start3A_29 : memref<400xi32, #tpu.memory_space<vmem>>) semaphore(%arg8 : memref<!tpu.dma_semaphore, #tpu.memory_space<semaphore_mem>>)
    %dma_wait3A_33 = arith.constant 400 : i32
    %dma_wait3A_34 = tpu.memref_slice %arg5[%dma_wait3A_33] : memref<6400xi32, #tpu.memory_space<vmem>> -> memref<400xi32, #tpu.memory_space<vmem>>
    %dma_wait3A_35 = arith.constant 0 : i32
    %dma_wait3A_36 = arith.constant 0 : i32
    %dma_wait3A_37 = tpu.memref_slice %arg3[%dma_wait3A_35, %dma_wait3A_36] : memref<100000x128xf32, #tpu.memory_space<hbm>> -> memref<100000x128xf32, #tpu.memory_space<hbm>>
    tpu.wait_indirect_dma semaphore(%arg9 : memref<!tpu.dma_semaphore, #tpu.memory_space<semaphore_mem>>) src(%dma_wait3A_37 : memref<100000x128xf32, #tpu.memory_space<hbm>>) dst(%arg7 : memref<400x128xf32, #tpu.memory_space<vmem>>)
    %add3A_38 = arith.constant 400 : i32
    %add3A_39 = arith.addi %mul3A_2, %add3A_38 : i32
    %dma_start3A_40 = arith.constant 0 : i32
    %dma_start3A_41 = tpu.memref_slice %arg4[%add3A_39, %dma_start3A_40] : memref<204800x128xf32, #tpu.memory_space<hbm>> -> memref<400x128xf32, #tpu.memory_space<hbm>>
    %dma_start3A_42 = arith.constant 0 : i32
    %dma_start3A_43 = tpu.memref_slice %arg4[%add3A_39, %dma_start3A_42] : memref<204800x128xf32, #tpu.memory_space<hbm>> -> memref<400x128xf32, #tpu.memory_space<hbm>>
    tpu.enqueue_dma source(%arg7 : memref<400x128xf32, #tpu.memory_space<vmem>>) target(%dma_start3A_43 : memref<400x128xf32, #tpu.memory_space<hbm>>) target_semaphore(%arg11 : memref<!tpu.dma_semaphore, #tpu.memory_space<semaphore_mem>>)
    %add3A_44 = arith.constant 400 : i32
    %add3A_45 = arith.addi %mul3A_2, %add3A_44 : i32
    %dma_wait3A_46 = arith.constant 0 : i32
    %dma_wait3A_47 = tpu.memref_slice %arg4[%add3A_45, %dma_wait3A_46] : memref<204800x128xf32, #tpu.memory_space<hbm>> -> memref<400x128xf32, #tpu.memory_space<hbm>>
    %dma_wait3A_48 = arith.constant 0 : i32
    %dma_wait3A_49 = tpu.memref_slice %arg4[%add3A_45, %dma_wait3A_48] : memref<204800x128xf32, #tpu.memory_space<hbm>> -> memref<400x128xf32, #tpu.memory_space<hbm>>
    tpu.wait_dma2 semaphore(%arg11 : memref<!tpu.dma_semaphore, #tpu.memory_space<semaphore_mem>>) src(%arg7 : memref<400x128xf32, #tpu.memory_space<vmem>>) dst(%dma_wait3A_49 : memref<400x128xf32, #tpu.memory_space<hbm>>)
    %dma_start3A_50 = arith.constant 1200 : i32
    %dma_start3A_51 = tpu.memref_slice %arg5[%dma_start3A_50] : memref<6400xi32, #tpu.memory_space<vmem>> -> memref<400xi32, #tpu.memory_space<vmem>>
    %dma_start3A_52 = arith.constant 0 : i32
    %dma_start3A_53 = arith.constant 0 : i32
    %dma_start3A_54 = tpu.memref_slice %arg3[%dma_start3A_52, %dma_start3A_53] : memref<100000x128xf32, #tpu.memory_space<hbm>> -> memref<100000x128xf32, #tpu.memory_space<hbm>>
    tpu.enqueue_indirect_dma source(%dma_start3A_54 : memref<100000x128xf32, #tpu.memory_space<hbm>>) target(%arg7 : memref<400x128xf32, #tpu.memory_space<vmem>>) offsets(%dma_start3A_51 : memref<400xi32, #tpu.memory_space<vmem>>) semaphore(%arg9 : memref<!tpu.dma_semaphore, #tpu.memory_space<semaphore_mem>>)
    %dma_wait3A_55 = arith.constant 800 : i32
    %dma_wait3A_56 = tpu.memref_slice %arg5[%dma_wait3A_55] : memref<6400xi32, #tpu.memory_space<vmem>> -> memref<400xi32, #tpu.memory_space<vmem>>
    %dma_wait3A_57 = arith.constant 0 : i32
    %dma_wait3A_58 = arith.constant 0 : i32
    %dma_wait3A_59 = tpu.memref_slice %arg3[%dma_wait3A_57, %dma_wait3A_58] : memref<100000x128xf32, #tpu.memory_space<hbm>> -> memref<100000x128xf32, #tpu.memory_space<hbm>>
    tpu.wait_indirect_dma semaphore(%arg8 : memref<!tpu.dma_semaphore, #tpu.memory_space<semaphore_mem>>) src(%dma_wait3A_59 : memref<100000x128xf32, #tpu.memory_space<hbm>>) dst(%arg6 : memref<400x128xf32, #tpu.memory_space<vmem>>)
    %add3A_60 = arith.constant 800 : i32
    %add3A_61 = arith.addi %mul3A_2, %add3A_60 : i32
    %dma_start3A_62 = arith.constant 0 : i32
    %dma_start3A_63 = tpu.memref_slice %arg4[%add3A_61, %dma_start3A_62] : memref<204800x128xf32, #tpu.memory_space<hbm>> -> memref<400x128xf32, #tpu.memory_space<hbm>>
    %dma_start3A_64 = arith.constant 0 : i32
    %dma_start3A_65 = tpu.memref_slice %arg4[%add3A_61, %dma_start3A_64] : memref<204800x128xf32, #tpu.memory_space<hbm>> -> memref<400x128xf32, #tpu.memory_space<hbm>>
    tpu.enqueue_dma source(%arg6 : memref<400x128xf32, #tpu.memory_space<vmem>>) target(%dma_start3A_65 : memref<400x128xf32, #tpu.memory_space<hbm>>) target_semaphore(%arg10 : memref<!tpu.dma_semaphore, #tpu.memory_space<semaphore_mem>>)
    %add3A_66 = arith.constant 800 : i32
    %add3A_67 = arith.addi %mul3A_2, %add3A_66 : i32
    %dma_wait3A_68 = arith.constant 0 : i32
    %dma_wait3A_69 = tpu.memref_slice %arg4[%add3A_67, %dma_wait3A_68] : memref<204800x128xf32, #tpu.memory_space<hbm>> -> memref<400x128xf32, #tpu.memory_space<hbm>>
    %dma_wait3A_70 = arith.constant 0 : i32
    %dma_wait3A_71 = tpu.memref_slice %arg4[%add3A_67, %dma_wait3A_70] : memref<204800x128xf32, #tpu.memory_space<hbm>> -> memref<400x128xf32, #tpu.memory_space<hbm>>
    tpu.wait_dma2 semaphore(%arg10 : memref<!tpu.dma_semaphore, #tpu.memory_space<semaphore_mem>>) src(%arg6 : memref<400x128xf32, #tpu.memory_space<vmem>>) dst(%dma_wait3A_71 : memref<400x128xf32, #tpu.memory_space<hbm>>)
    %dma_start3A_72 = arith.constant 1600 : i32
    %dma_start3A_73 = tpu.memref_slice %arg5[%dma_start3A_72] : memref<6400xi32, #tpu.memory_space<vmem>> -> memref<400xi32, #tpu.memory_space<vmem>>
    %dma_start3A_74 = arith.constant 0 : i32
    %dma_start3A_75 = arith.constant 0 : i32
    %dma_start3A_76 = tpu.memref_slice %arg3[%dma_start3A_74, %dma_start3A_75] : memref<100000x128xf32, #tpu.memory_space<hbm>> -> memref<100000x128xf32, #tpu.memory_space<hbm>>
    tpu.enqueue_indirect_dma source(%dma_start3A_76 : memref<100000x128xf32, #tpu.memory_space<hbm>>) target(%arg6 : memref<400x128xf32, #tpu.memory_space<vmem>>) offsets(%dma_start3A_73 : memref<400xi32, #tpu.memory_space<vmem>>) semaphore(%arg8 : memref<!tpu.dma_semaphore, #tpu.memory_space<semaphore_mem>>)
    %dma_wait3A_77 = arith.constant 1200 : i32
    %dma_wait3A_78 = tpu.memref_slice %arg5[%dma_wait3A_77] : memref<6400xi32, #tpu.memory_space<vmem>> -> memref<400xi32, #tpu.memory_space<vmem>>
    %dma_wait3A_79 = arith.constant 0 : i32
    %dma_wait3A_80 = arith.constant 0 : i32
    %dma_wait3A_81 = tpu.memref_slice %arg3[%dma_wait3A_79, %dma_wait3A_80] : memref<100000x128xf32, #tpu.memory_space<hbm>> -> memref<100000x128xf32, #tpu.memory_space<hbm>>
    tpu.wait_indirect_dma semaphore(%arg9 : memref<!tpu.dma_semaphore, #tpu.memory_space<semaphore_mem>>) src(%dma_wait3A_81 : memref<100000x128xf32, #tpu.memory_space<hbm>>) dst(%arg7 : memref<400x128xf32, #tpu.memory_space<vmem>>)
    %add3A_82 = arith.constant 1200 : i32
    %add3A_83 = arith.addi %mul3A_2, %add3A_82 : i32
    %dma_start3A_84 = arith.constant 0 : i32
    %dma_start3A_85 = tpu.memref_slice %arg4[%add3A_83, %dma_start3A_84] : memref<204800x128xf32, #tpu.memory_space<hbm>> -> memref<400x128xf32, #tpu.memory_space<hbm>>
    %dma_start3A_86 = arith.constant 0 : i32
    %dma_start3A_87 = tpu.memref_slice %arg4[%add3A_83, %dma_start3A_86] : memref<204800x128xf32, #tpu.memory_space<hbm>> -> memref<400x128xf32, #tpu.memory_space<hbm>>
    tpu.enqueue_dma source(%arg7 : memref<400x128xf32, #tpu.memory_space<vmem>>) target(%dma_start3A_87 : memref<400x128xf32, #tpu.memory_space<hbm>>) target_semaphore(%arg11 : memref<!tpu.dma_semaphore, #tpu.memory_space<semaphore_mem>>)
    %add3A_88 = arith.constant 1200 : i32
    %add3A_89 = arith.addi %mul3A_2, %add3A_88 : i32
    %dma_wait3A_90 = arith.constant 0 : i32
    %dma_wait3A_91 = tpu.memref_slice %arg4[%add3A_89, %dma_wait3A_90] : memref<204800x128xf32, #tpu.memory_space<hbm>> -> memref<400x128xf32, #tpu.memory_space<hbm>>
    %dma_wait3A_92 = arith.constant 0 : i32
    %dma_wait3A_93 = tpu.memref_slice %arg4[%add3A_89, %dma_wait3A_92] : memref<204800x128xf32, #tpu.memory_space<hbm>> -> memref<400x128xf32, #tpu.memory_space<hbm>>
    tpu.wait_dma2 semaphore(%arg11 : memref<!tpu.dma_semaphore, #tpu.memory_space<semaphore_mem>>) src(%arg7 : memref<400x128xf32, #tpu.memory_space<vmem>>) dst(%dma_wait3A_93 : memref<400x128xf32, #tpu.memory_space<hbm>>)
    %dma_start3A_94 = arith.constant 2000 : i32
    %dma_start3A_95 = tpu.memref_slice %arg5[%dma_start3A_94] : memref<6400xi32, #tpu.memory_space<vmem>> -> memref<400xi32, #tpu.memory_space<vmem>>
    %dma_start3A_96 = arith.constant 0 : i32
    %dma_start3A_97 = arith.constant 0 : i32
    %dma_start3A_98 = tpu.memref_slice %arg3[%dma_start3A_96, %dma_start3A_97] : memref<100000x128xf32, #tpu.memory_space<hbm>> -> memref<100000x128xf32, #tpu.memory_space<hbm>>
    tpu.enqueue_indirect_dma source(%dma_start3A_98 : memref<100000x128xf32, #tpu.memory_space<hbm>>) target(%arg7 : memref<400x128xf32, #tpu.memory_space<vmem>>) offsets(%dma_start3A_95 : memref<400xi32, #tpu.memory_space<vmem>>) semaphore(%arg9 : memref<!tpu.dma_semaphore, #tpu.memory_space<semaphore_mem>>)
    %dma_wait3A_99 = arith.constant 1600 : i32
    %dma_wait3A_100 = tpu.memref_slice %arg5[%dma_wait3A_99] : memref<6400xi32, #tpu.memory_space<vmem>> -> memref<400xi32, #tpu.memory_space<vmem>>
    %dma_wait3A_101 = arith.constant 0 : i32
    %dma_wait3A_102 = arith.constant 0 : i32
    %dma_wait3A_103 = tpu.memref_slice %arg3[%dma_wait3A_101, %dma_wait3A_102] : memref<100000x128xf32, #tpu.memory_space<hbm>> -> memref<100000x128xf32, #tpu.memory_space<hbm>>
    tpu.wait_indirect_dma semaphore(%arg8 : memref<!tpu.dma_semaphore, #tpu.memory_space<semaphore_mem>>) src(%dma_wait3A_103 : memref<100000x128xf32, #tpu.memory_space<hbm>>) dst(%arg6 : memref<400x128xf32, #tpu.memory_space<vmem>>)
    %add3A_104 = arith.constant 1600 : i32
    %add3A_105 = arith.addi %mul3A_2, %add3A_104 : i32
    %dma_start3A_106 = arith.constant 0 : i32
    %dma_start3A_107 = tpu.memref_slice %arg4[%add3A_105, %dma_start3A_106] : memref<204800x128xf32, #tpu.memory_space<hbm>> -> memref<400x128xf32, #tpu.memory_space<hbm>>
    %dma_start3A_108 = arith.constant 0 : i32
    %dma_start3A_109 = tpu.memref_slice %arg4[%add3A_105, %dma_start3A_108] : memref<204800x128xf32, #tpu.memory_space<hbm>> -> memref<400x128xf32, #tpu.memory_space<hbm>>
    tpu.enqueue_dma source(%arg6 : memref<400x128xf32, #tpu.memory_space<vmem>>) target(%dma_start3A_109 : memref<400x128xf32, #tpu.memory_space<hbm>>) target_semaphore(%arg10 : memref<!tpu.dma_semaphore, #tpu.memory_space<semaphore_mem>>)
    %add3A_110 = arith.constant 1600 : i32
    %add3A_111 = arith.addi %mul3A_2, %add3A_110 : i32
    %dma_wait3A_112 = arith.constant 0 : i32
    %dma_wait3A_113 = tpu.memref_slice %arg4[%add3A_111, %dma_wait3A_112] : memref<204800x128xf32, #tpu.memory_space<hbm>> -> memref<400x128xf32, #tpu.memory_space<hbm>>
    %dma_wait3A_114 = arith.constant 0 : i32
    %dma_wait3A_115 = tpu.memref_slice %arg4[%add3A_111, %dma_wait3A_114] : memref<204800x128xf32, #tpu.memory_space<hbm>> -> memref<400x128xf32, #tpu.memory_space<hbm>>
    tpu.wait_dma2 semaphore(%arg10 : memref<!tpu.dma_semaphore, #tpu.memory_space<semaphore_mem>>) src(%arg6 : memref<400x128xf32, #tpu.memory_space<vmem>>) dst(%dma_wait3A_115 : memref<400x128xf32, #tpu.memory_space<hbm>>)
    %dma_start3A_116 = arith.constant 2400 : i32
    %dma_start3A_117 = tpu.memref_slice %arg5[%dma_start3A_116] : memref<6400xi32, #tpu.memory_space<vmem>> -> memref<400xi32, #tpu.memory_space<vmem>>
    %dma_start3A_118 = arith.constant 0 : i32
    %dma_start3A_119 = arith.constant 0 : i32
    %dma_start3A_120 = tpu.memref_slice %arg3[%dma_start3A_118, %dma_start3A_119] : memref<100000x128xf32, #tpu.memory_space<hbm>> -> memref<100000x128xf32, #tpu.memory_space<hbm>>
    tpu.enqueue_indirect_dma source(%dma_start3A_120 : memref<100000x128xf32, #tpu.memory_space<hbm>>) target(%arg6 : memref<400x128xf32, #tpu.memory_space<vmem>>) offsets(%dma_start3A_117 : memref<400xi32, #tpu.memory_space<vmem>>) semaphore(%arg8 : memref<!tpu.dma_semaphore, #tpu.memory_space<semaphore_mem>>)
    %dma_wait3A_121 = arith.constant 2000 : i32
    %dma_wait3A_122 = tpu.memref_slice %arg5[%dma_wait3A_121] : memref<6400xi32, #tpu.memory_space<vmem>> -> memref<400xi32, #tpu.memory_space<vmem>>
    %dma_wait3A_123 = arith.constant 0 : i32
    %dma_wait3A_124 = arith.constant 0 : i32
    %dma_wait3A_125 = tpu.memref_slice %arg3[%dma_wait3A_123, %dma_wait3A_124] : memref<100000x128xf32, #tpu.memory_space<hbm>> -> memref<100000x128xf32, #tpu.memory_space<hbm>>
    tpu.wait_indirect_dma semaphore(%arg9 : memref<!tpu.dma_semaphore, #tpu.memory_space<semaphore_mem>>) src(%dma_wait3A_125 : memref<100000x128xf32, #tpu.memory_space<hbm>>) dst(%arg7 : memref<400x128xf32, #tpu.memory_space<vmem>>)
    %add3A_126 = arith.constant 2000 : i32
    %add3A_127 = arith.addi %mul3A_2, %add3A_126 : i32
    %dma_start3A_128 = arith.constant 0 : i32
    %dma_start3A_129 = tpu.memref_slice %arg4[%add3A_127, %dma_start3A_128] : memref<204800x128xf32, #tpu.memory_space<hbm>> -> memref<400x128xf32, #tpu.memory_space<hbm>>
    %dma_start3A_130 = arith.constant 0 : i32
    %dma_start3A_131 = tpu.memref_slice %arg4[%add3A_127, %dma_start3A_130] : memref<204800x128xf32, #tpu.memory_space<hbm>> -> memref<400x128xf32, #tpu.memory_space<hbm>>
    tpu.enqueue_dma source(%arg7 : memref<400x128xf32, #tpu.memory_space<vmem>>) target(%dma_start3A_131 : memref<400x128xf32, #tpu.memory_space<hbm>>) target_semaphore(%arg11 : memref<!tpu.dma_semaphore, #tpu.memory_space<semaphore_mem>>)
    %add3A_132 = arith.constant 2000 : i32
    %add3A_133 = arith.addi %mul3A_2, %add3A_132 : i32
    %dma_wait3A_134 = arith.constant 0 : i32
    %dma_wait3A_135 = tpu.memref_slice %arg4[%add3A_133, %dma_wait3A_134] : memref<204800x128xf32, #tpu.memory_space<hbm>> -> memref<400x128xf32, #tpu.memory_space<hbm>>
    %dma_wait3A_136 = arith.constant 0 : i32
    %dma_wait3A_137 = tpu.memref_slice %arg4[%add3A_133, %dma_wait3A_136] : memref<204800x128xf32, #tpu.memory_space<hbm>> -> memref<400x128xf32, #tpu.memory_space<hbm>>
    tpu.wait_dma2 semaphore(%arg11 : memref<!tpu.dma_semaphore, #tpu.memory_space<semaphore_mem>>) src(%arg7 : memref<400x128xf32, #tpu.memory_space<vmem>>) dst(%dma_wait3A_137 : memref<400x128xf32, #tpu.memory_space<hbm>>)
    %dma_start3A_138 = arith.constant 2800 : i32
    %dma_start3A_139 = tpu.memref_slice %arg5[%dma_start3A_138] : memref<6400xi32, #tpu.memory_space<vmem>> -> memref<400xi32, #tpu.memory_space<vmem>>
    %dma_start3A_140 = arith.constant 0 : i32
    %dma_start3A_141 = arith.constant 0 : i32
    %dma_start3A_142 = tpu.memref_slice %arg3[%dma_start3A_140, %dma_start3A_141] : memref<100000x128xf32, #tpu.memory_space<hbm>> -> memref<100000x128xf32, #tpu.memory_space<hbm>>
    tpu.enqueue_indirect_dma source(%dma_start3A_142 : memref<100000x128xf32, #tpu.memory_space<hbm>>) target(%arg7 : memref<400x128xf32, #tpu.memory_space<vmem>>) offsets(%dma_start3A_139 : memref<400xi32, #tpu.memory_space<vmem>>) semaphore(%arg9 : memref<!tpu.dma_semaphore, #tpu.memory_space<semaphore_mem>>)
    %dma_wait3A_143 = arith.constant 2400 : i32
    %dma_wait3A_144 = tpu.memref_slice %arg5[%dma_wait3A_143] : memref<6400xi32, #tpu.memory_space<vmem>> -> memref<400xi32, #tpu.memory_space<vmem>>
    %dma_wait3A_145 = arith.constant 0 : i32
    %dma_wait3A_146 = arith.constant 0 : i32
    %dma_wait3A_147 = tpu.memref_slice %arg3[%dma_wait3A_145, %dma_wait3A_146] : memref<100000x128xf32, #tpu.memory_space<hbm>> -> memref<100000x128xf32, #tpu.memory_space<hbm>>
    tpu.wait_indirect_dma semaphore(%arg8 : memref<!tpu.dma_semaphore, #tpu.memory_space<semaphore_mem>>) src(%dma_wait3A_147 : memref<100000x128xf32, #tpu.memory_space<hbm>>) dst(%arg6 : memref<400x128xf32, #tpu.memory_space<vmem>>)
    %add3A_148 = arith.constant 2400 : i32
    %add3A_149 = arith.addi %mul3A_2, %add3A_148 : i32
    %dma_start3A_150 = arith.constant 0 : i32
    %dma_start3A_151 = tpu.memref_slice %arg4[%add3A_149, %dma_start3A_150] : memref<204800x128xf32, #tpu.memory_space<hbm>> -> memref<400x128xf32, #tpu.memory_space<hbm>>
    %dma_start3A_152 = arith.constant 0 : i32
    %dma_start3A_153 = tpu.memref_slice %arg4[%add3A_149, %dma_start3A_152] : memref<204800x128xf32, #tpu.memory_space<hbm>> -> memref<400x128xf32, #tpu.memory_space<hbm>>
    tpu.enqueue_dma source(%arg6 : memref<400x128xf32, #tpu.memory_space<vmem>>) target(%dma_start3A_153 : memref<400x128xf32, #tpu.memory_space<hbm>>) target_semaphore(%arg10 : memref<!tpu.dma_semaphore, #tpu.memory_space<semaphore_mem>>)
    %add3A_154 = arith.constant 2400 : i32
    %add3A_155 = arith.addi %mul3A_2, %add3A_154 : i32
    %dma_wait3A_156 = arith.constant 0 : i32
    %dma_wait3A_157 = tpu.memref_slice %arg4[%add3A_155, %dma_wait3A_156] : memref<204800x128xf32, #tpu.memory_space<hbm>> -> memref<400x128xf32, #tpu.memory_space<hbm>>
    %dma_wait3A_158 = arith.constant 0 : i32
    %dma_wait3A_159 = tpu.memref_slice %arg4[%add3A_155, %dma_wait3A_158] : memref<204800x128xf32, #tpu.memory_space<hbm>> -> memref<400x128xf32, #tpu.memory_space<hbm>>
    tpu.wait_dma2 semaphore(%arg10 : memref<!tpu.dma_semaphore, #tpu.memory_space<semaphore_mem>>) src(%arg6 : memref<400x128xf32, #tpu.memory_space<vmem>>) dst(%dma_wait3A_159 : memref<400x128xf32, #tpu.memory_space<hbm>>)
    %dma_start3A_160 = arith.constant 3200 : i32
    %dma_start3A_161 = tpu.memref_slice %arg5[%dma_start3A_160] : memref<6400xi32, #tpu.memory_space<vmem>> -> memref<400xi32, #tpu.memory_space<vmem>>
    %dma_start3A_162 = arith.constant 0 : i32
    %dma_start3A_163 = arith.constant 0 : i32
    %dma_start3A_164 = tpu.memref_slice %arg3[%dma_start3A_162, %dma_start3A_163] : memref<100000x128xf32, #tpu.memory_space<hbm>> -> memref<100000x128xf32, #tpu.memory_space<hbm>>
    tpu.enqueue_indirect_dma source(%dma_start3A_164 : memref<100000x128xf32, #tpu.memory_space<hbm>>) target(%arg6 : memref<400x128xf32, #tpu.memory_space<vmem>>) offsets(%dma_start3A_161 : memref<400xi32, #tpu.memory_space<vmem>>) semaphore(%arg8 : memref<!tpu.dma_semaphore, #tpu.memory_space<semaphore_mem>>)
    %dma_wait3A_165 = arith.constant 2800 : i32
    %dma_wait3A_166 = tpu.memref_slice %arg5[%dma_wait3A_165] : memref<6400xi32, #tpu.memory_space<vmem>> -> memref<400xi32, #tpu.memory_space<vmem>>
    %dma_wait3A_167 = arith.constant 0 : i32
    %dma_wait3A_168 = arith.constant 0 : i32
    %dma_wait3A_169 = tpu.memref_slice %arg3[%dma_wait3A_167, %dma_wait3A_168] : memref<100000x128xf32, #tpu.memory_space<hbm>> -> memref<100000x128xf32, #tpu.memory_space<hbm>>
    tpu.wait_indirect_dma semaphore(%arg9 : memref<!tpu.dma_semaphore, #tpu.memory_space<semaphore_mem>>) src(%dma_wait3A_169 : memref<100000x128xf32, #tpu.memory_space<hbm>>) dst(%arg7 : memref<400x128xf32, #tpu.memory_space<vmem>>)
    %add3A_170 = arith.constant 2800 : i32
    %add3A_171 = arith.addi %mul3A_2, %add3A_170 : i32
    %dma_start3A_172 = arith.constant 0 : i32
    %dma_start3A_173 = tpu.memref_slice %arg4[%add3A_171, %dma_start3A_172] : memref<204800x128xf32, #tpu.memory_space<hbm>> -> memref<400x128xf32, #tpu.memory_space<hbm>>
    %dma_start3A_174 = arith.constant 0 : i32
    %dma_start3A_175 = tpu.memref_slice %arg4[%add3A_171, %dma_start3A_174] : memref<204800x128xf32, #tpu.memory_space<hbm>> -> memref<400x128xf32, #tpu.memory_space<hbm>>
    tpu.enqueue_dma source(%arg7 : memref<400x128xf32, #tpu.memory_space<vmem>>) target(%dma_start3A_175 : memref<400x128xf32, #tpu.memory_space<hbm>>) target_semaphore(%arg11 : memref<!tpu.dma_semaphore, #tpu.memory_space<semaphore_mem>>)
    %add3A_176 = arith.constant 2800 : i32
    %add3A_177 = arith.addi %mul3A_2, %add3A_176 : i32
    %dma_wait3A_178 = arith.constant 0 : i32
    %dma_wait3A_179 = tpu.memref_slice %arg4[%add3A_177, %dma_wait3A_178] : memref<204800x128xf32, #tpu.memory_space<hbm>> -> memref<400x128xf32, #tpu.memory_space<hbm>>
    %dma_wait3A_180 = arith.constant 0 : i32
    %dma_wait3A_181 = tpu.memref_slice %arg4[%add3A_177, %dma_wait3A_180] : memref<204800x128xf32, #tpu.memory_space<hbm>> -> memref<400x128xf32, #tpu.memory_space<hbm>>
    tpu.wait_dma2 semaphore(%arg11 : memref<!tpu.dma_semaphore, #tpu.memory_space<semaphore_mem>>) src(%arg7 : memref<400x128xf32, #tpu.memory_space<vmem>>) dst(%dma_wait3A_181 : memref<400x128xf32, #tpu.memory_space<hbm>>)
    %dma_start3A_182 = arith.constant 3600 : i32
    %dma_start3A_183 = tpu.memref_slice %arg5[%dma_start3A_182] : memref<6400xi32, #tpu.memory_space<vmem>> -> memref<400xi32, #tpu.memory_space<vmem>>
    %dma_start3A_184 = arith.constant 0 : i32
    %dma_start3A_185 = arith.constant 0 : i32
    %dma_start3A_186 = tpu.memref_slice %arg3[%dma_start3A_184, %dma_start3A_185] : memref<100000x128xf32, #tpu.memory_space<hbm>> -> memref<100000x128xf32, #tpu.memory_space<hbm>>
    tpu.enqueue_indirect_dma source(%dma_start3A_186 : memref<100000x128xf32, #tpu.memory_space<hbm>>) target(%arg7 : memref<400x128xf32, #tpu.memory_space<vmem>>) offsets(%dma_start3A_183 : memref<400xi32, #tpu.memory_space<vmem>>) semaphore(%arg9 : memref<!tpu.dma_semaphore, #tpu.memory_space<semaphore_mem>>)
    %dma_wait3A_187 = arith.constant 3200 : i32
    %dma_wait3A_188 = tpu.memref_slice %arg5[%dma_wait3A_187] : memref<6400xi32, #tpu.memory_space<vmem>> -> memref<400xi32, #tpu.memory_space<vmem>>
    %dma_wait3A_189 = arith.constant 0 : i32
    %dma_wait3A_190 = arith.constant 0 : i32
    %dma_wait3A_191 = tpu.memref_slice %arg3[%dma_wait3A_189, %dma_wait3A_190] : memref<100000x128xf32, #tpu.memory_space<hbm>> -> memref<100000x128xf32, #tpu.memory_space<hbm>>
    tpu.wait_indirect_dma semaphore(%arg8 : memref<!tpu.dma_semaphore, #tpu.memory_space<semaphore_mem>>) src(%dma_wait3A_191 : memref<100000x128xf32, #tpu.memory_space<hbm>>) dst(%arg6 : memref<400x128xf32, #tpu.memory_space<vmem>>)
    %add3A_192 = arith.constant 3200 : i32
    %add3A_193 = arith.addi %mul3A_2, %add3A_192 : i32
    %dma_start3A_194 = arith.constant 0 : i32
    %dma_start3A_195 = tpu.memref_slice %arg4[%add3A_193, %dma_start3A_194] : memref<204800x128xf32, #tpu.memory_space<hbm>> -> memref<400x128xf32, #tpu.memory_space<hbm>>
    %dma_start3A_196 = arith.constant 0 : i32
    %dma_start3A_197 = tpu.memref_slice %arg4[%add3A_193, %dma_start3A_196] : memref<204800x128xf32, #tpu.memory_space<hbm>> -> memref<400x128xf32, #tpu.memory_space<hbm>>
    tpu.enqueue_dma source(%arg6 : memref<400x128xf32, #tpu.memory_space<vmem>>) target(%dma_start3A_197 : memref<400x128xf32, #tpu.memory_space<hbm>>) target_semaphore(%arg10 : memref<!tpu.dma_semaphore, #tpu.memory_space<semaphore_mem>>)
    %add3A_198 = arith.constant 3200 : i32
    %add3A_199 = arith.addi %mul3A_2, %add3A_198 : i32
    %dma_wait3A_200 = arith.constant 0 : i32
    %dma_wait3A_201 = tpu.memref_slice %arg4[%add3A_199, %dma_wait3A_200] : memref<204800x128xf32, #tpu.memory_space<hbm>> -> memref<400x128xf32, #tpu.memory_space<hbm>>
    %dma_wait3A_202 = arith.constant 0 : i32
    %dma_wait3A_203 = tpu.memref_slice %arg4[%add3A_199, %dma_wait3A_202] : memref<204800x128xf32, #tpu.memory_space<hbm>> -> memref<400x128xf32, #tpu.memory_space<hbm>>
    tpu.wait_dma2 semaphore(%arg10 : memref<!tpu.dma_semaphore, #tpu.memory_space<semaphore_mem>>) src(%arg6 : memref<400x128xf32, #tpu.memory_space<vmem>>) dst(%dma_wait3A_203 : memref<400x128xf32, #tpu.memory_space<hbm>>)
    %dma_start3A_204 = arith.constant 4000 : i32
    %dma_start3A_205 = tpu.memref_slice %arg5[%dma_start3A_204] : memref<6400xi32, #tpu.memory_space<vmem>> -> memref<400xi32, #tpu.memory_space<vmem>>
    %dma_start3A_206 = arith.constant 0 : i32
    %dma_start3A_207 = arith.constant 0 : i32
    %dma_start3A_208 = tpu.memref_slice %arg3[%dma_start3A_206, %dma_start3A_207] : memref<100000x128xf32, #tpu.memory_space<hbm>> -> memref<100000x128xf32, #tpu.memory_space<hbm>>
    tpu.enqueue_indirect_dma source(%dma_start3A_208 : memref<100000x128xf32, #tpu.memory_space<hbm>>) target(%arg6 : memref<400x128xf32, #tpu.memory_space<vmem>>) offsets(%dma_start3A_205 : memref<400xi32, #tpu.memory_space<vmem>>) semaphore(%arg8 : memref<!tpu.dma_semaphore, #tpu.memory_space<semaphore_mem>>)
    %dma_wait3A_209 = arith.constant 3600 : i32
    %dma_wait3A_210 = tpu.memref_slice %arg5[%dma_wait3A_209] : memref<6400xi32, #tpu.memory_space<vmem>> -> memref<400xi32, #tpu.memory_space<vmem>>
    %dma_wait3A_211 = arith.constant 0 : i32
    %dma_wait3A_212 = arith.constant 0 : i32
    %dma_wait3A_213 = tpu.memref_slice %arg3[%dma_wait3A_211, %dma_wait3A_212] : memref<100000x128xf32, #tpu.memory_space<hbm>> -> memref<100000x128xf32, #tpu.memory_space<hbm>>
    tpu.wait_indirect_dma semaphore(%arg9 : memref<!tpu.dma_semaphore, #tpu.memory_space<semaphore_mem>>) src(%dma_wait3A_213 : memref<100000x128xf32, #tpu.memory_space<hbm>>) dst(%arg7 : memref<400x128xf32, #tpu.memory_space<vmem>>)
    %add3A_214 = arith.constant 3600 : i32
    %add3A_215 = arith.addi %mul3A_2, %add3A_214 : i32
    %dma_start3A_216 = arith.constant 0 : i32
    %dma_start3A_217 = tpu.memref_slice %arg4[%add3A_215, %dma_start3A_216] : memref<204800x128xf32, #tpu.memory_space<hbm>> -> memref<400x128xf32, #tpu.memory_space<hbm>>
    %dma_start3A_218 = arith.constant 0 : i32
    %dma_start3A_219 = tpu.memref_slice %arg4[%add3A_215, %dma_start3A_218] : memref<204800x128xf32, #tpu.memory_space<hbm>> -> memref<400x128xf32, #tpu.memory_space<hbm>>
    tpu.enqueue_dma source(%arg7 : memref<400x128xf32, #tpu.memory_space<vmem>>) target(%dma_start3A_219 : memref<400x128xf32, #tpu.memory_space<hbm>>) target_semaphore(%arg11 : memref<!tpu.dma_semaphore, #tpu.memory_space<semaphore_mem>>)
    %add3A_220 = arith.constant 3600 : i32
    %add3A_221 = arith.addi %mul3A_2, %add3A_220 : i32
    %dma_wait3A_222 = arith.constant 0 : i32
    %dma_wait3A_223 = tpu.memref_slice %arg4[%add3A_221, %dma_wait3A_222] : memref<204800x128xf32, #tpu.memory_space<hbm>> -> memref<400x128xf32, #tpu.memory_space<hbm>>
    %dma_wait3A_224 = arith.constant 0 : i32
    %dma_wait3A_225 = tpu.memref_slice %arg4[%add3A_221, %dma_wait3A_224] : memref<204800x128xf32, #tpu.memory_space<hbm>> -> memref<400x128xf32, #tpu.memory_space<hbm>>
    tpu.wait_dma2 semaphore(%arg11 : memref<!tpu.dma_semaphore, #tpu.memory_space<semaphore_mem>>) src(%arg7 : memref<400x128xf32, #tpu.memory_space<vmem>>) dst(%dma_wait3A_225 : memref<400x128xf32, #tpu.memory_space<hbm>>)
    %dma_start3A_226 = arith.constant 4400 : i32
    %dma_start3A_227 = tpu.memref_slice %arg5[%dma_start3A_226] : memref<6400xi32, #tpu.memory_space<vmem>> -> memref<400xi32, #tpu.memory_space<vmem>>
    %dma_start3A_228 = arith.constant 0 : i32
    %dma_start3A_229 = arith.constant 0 : i32
    %dma_start3A_230 = tpu.memref_slice %arg3[%dma_start3A_228, %dma_start3A_229] : memref<100000x128xf32, #tpu.memory_space<hbm>> -> memref<100000x128xf32, #tpu.memory_space<hbm>>
    tpu.enqueue_indirect_dma source(%dma_start3A_230 : memref<100000x128xf32, #tpu.memory_space<hbm>>) target(%arg7 : memref<400x128xf32, #tpu.memory_space<vmem>>) offsets(%dma_start3A_227 : memref<400xi32, #tpu.memory_space<vmem>>) semaphore(%arg9 : memref<!tpu.dma_semaphore, #tpu.memory_space<semaphore_mem>>)
    %dma_wait3A_231 = arith.constant 4000 : i32
    %dma_wait3A_232 = tpu.memref_slice %arg5[%dma_wait3A_231] : memref<6400xi32, #tpu.memory_space<vmem>> -> memref<400xi32, #tpu.memory_space<vmem>>
    %dma_wait3A_233 = arith.constant 0 : i32
    %dma_wait3A_234 = arith.constant 0 : i32
    %dma_wait3A_235 = tpu.memref_slice %arg3[%dma_wait3A_233, %dma_wait3A_234] : memref<100000x128xf32, #tpu.memory_space<hbm>> -> memref<100000x128xf32, #tpu.memory_space<hbm>>
    tpu.wait_indirect_dma semaphore(%arg8 : memref<!tpu.dma_semaphore, #tpu.memory_space<semaphore_mem>>) src(%dma_wait3A_235 : memref<100000x128xf32, #tpu.memory_space<hbm>>) dst(%arg6 : memref<400x128xf32, #tpu.memory_space<vmem>>)
    %add3A_236 = arith.constant 4000 : i32
    %add3A_237 = arith.addi %mul3A_2, %add3A_236 : i32
    %dma_start3A_238 = arith.constant 0 : i32
    %dma_start3A_239 = tpu.memref_slice %arg4[%add3A_237, %dma_start3A_238] : memref<204800x128xf32, #tpu.memory_space<hbm>> -> memref<400x128xf32, #tpu.memory_space<hbm>>
    %dma_start3A_240 = arith.constant 0 : i32
    %dma_start3A_241 = tpu.memref_slice %arg4[%add3A_237, %dma_start3A_240] : memref<204800x128xf32, #tpu.memory_space<hbm>> -> memref<400x128xf32, #tpu.memory_space<hbm>>
    tpu.enqueue_dma source(%arg6 : memref<400x128xf32, #tpu.memory_space<vmem>>) target(%dma_start3A_241 : memref<400x128xf32, #tpu.memory_space<hbm>>) target_semaphore(%arg10 : memref<!tpu.dma_semaphore, #tpu.memory_space<semaphore_mem>>)
    %add3A_242 = arith.constant 4000 : i32
    %add3A_243 = arith.addi %mul3A_2, %add3A_242 : i32
    %dma_wait3A_244 = arith.constant 0 : i32
    %dma_wait3A_245 = tpu.memref_slice %arg4[%add3A_243, %dma_wait3A_244] : memref<204800x128xf32, #tpu.memory_space<hbm>> -> memref<400x128xf32, #tpu.memory_space<hbm>>
    %dma_wait3A_246 = arith.constant 0 : i32
    %dma_wait3A_247 = tpu.memref_slice %arg4[%add3A_243, %dma_wait3A_246] : memref<204800x128xf32, #tpu.memory_space<hbm>> -> memref<400x128xf32, #tpu.memory_space<hbm>>
    tpu.wait_dma2 semaphore(%arg10 : memref<!tpu.dma_semaphore, #tpu.memory_space<semaphore_mem>>) src(%arg6 : memref<400x128xf32, #tpu.memory_space<vmem>>) dst(%dma_wait3A_247 : memref<400x128xf32, #tpu.memory_space<hbm>>)
    %dma_start3A_248 = arith.constant 4800 : i32
    %dma_start3A_249 = tpu.memref_slice %arg5[%dma_start3A_248] : memref<6400xi32, #tpu.memory_space<vmem>> -> memref<400xi32, #tpu.memory_space<vmem>>
    %dma_start3A_250 = arith.constant 0 : i32
    %dma_start3A_251 = arith.constant 0 : i32
    %dma_start3A_252 = tpu.memref_slice %arg3[%dma_start3A_250, %dma_start3A_251] : memref<100000x128xf32, #tpu.memory_space<hbm>> -> memref<100000x128xf32, #tpu.memory_space<hbm>>
    tpu.enqueue_indirect_dma source(%dma_start3A_252 : memref<100000x128xf32, #tpu.memory_space<hbm>>) target(%arg6 : memref<400x128xf32, #tpu.memory_space<vmem>>) offsets(%dma_start3A_249 : memref<400xi32, #tpu.memory_space<vmem>>) semaphore(%arg8 : memref<!tpu.dma_semaphore, #tpu.memory_space<semaphore_mem>>)
    %dma_wait3A_253 = arith.constant 4400 : i32
    %dma_wait3A_254 = tpu.memref_slice %arg5[%dma_wait3A_253] : memref<6400xi32, #tpu.memory_space<vmem>> -> memref<400xi32, #tpu.memory_space<vmem>>
    %dma_wait3A_255 = arith.constant 0 : i32
    %dma_wait3A_256 = arith.constant 0 : i32
    %dma_wait3A_257 = tpu.memref_slice %arg3[%dma_wait3A_255, %dma_wait3A_256] : memref<100000x128xf32, #tpu.memory_space<hbm>> -> memref<100000x128xf32, #tpu.memory_space<hbm>>
    tpu.wait_indirect_dma semaphore(%arg9 : memref<!tpu.dma_semaphore, #tpu.memory_space<semaphore_mem>>) src(%dma_wait3A_257 : memref<100000x128xf32, #tpu.memory_space<hbm>>) dst(%arg7 : memref<400x128xf32, #tpu.memory_space<vmem>>)
    %add3A_258 = arith.constant 4400 : i32
    %add3A_259 = arith.addi %mul3A_2, %add3A_258 : i32
    %dma_start3A_260 = arith.constant 0 : i32
    %dma_start3A_261 = tpu.memref_slice %arg4[%add3A_259, %dma_start3A_260] : memref<204800x128xf32, #tpu.memory_space<hbm>> -> memref<400x128xf32, #tpu.memory_space<hbm>>
    %dma_start3A_262 = arith.constant 0 : i32
    %dma_start3A_263 = tpu.memref_slice %arg4[%add3A_259, %dma_start3A_262] : memref<204800x128xf32, #tpu.memory_space<hbm>> -> memref<400x128xf32, #tpu.memory_space<hbm>>
    tpu.enqueue_dma source(%arg7 : memref<400x128xf32, #tpu.memory_space<vmem>>) target(%dma_start3A_263 : memref<400x128xf32, #tpu.memory_space<hbm>>) target_semaphore(%arg11 : memref<!tpu.dma_semaphore, #tpu.memory_space<semaphore_mem>>)
    %add3A_264 = arith.constant 4400 : i32
    %add3A_265 = arith.addi %mul3A_2, %add3A_264 : i32
    %dma_wait3A_266 = arith.constant 0 : i32
    %dma_wait3A_267 = tpu.memref_slice %arg4[%add3A_265, %dma_wait3A_266] : memref<204800x128xf32, #tpu.memory_space<hbm>> -> memref<400x128xf32, #tpu.memory_space<hbm>>
    %dma_wait3A_268 = arith.constant 0 : i32
    %dma_wait3A_269 = tpu.memref_slice %arg4[%add3A_265, %dma_wait3A_268] : memref<204800x128xf32, #tpu.memory_space<hbm>> -> memref<400x128xf32, #tpu.memory_space<hbm>>
    tpu.wait_dma2 semaphore(%arg11 : memref<!tpu.dma_semaphore, #tpu.memory_space<semaphore_mem>>) src(%arg7 : memref<400x128xf32, #tpu.memory_space<vmem>>) dst(%dma_wait3A_269 : memref<400x128xf32, #tpu.memory_space<hbm>>)
    %dma_start3A_270 = arith.constant 5200 : i32
    %dma_start3A_271 = tpu.memref_slice %arg5[%dma_start3A_270] : memref<6400xi32, #tpu.memory_space<vmem>> -> memref<400xi32, #tpu.memory_space<vmem>>
    %dma_start3A_272 = arith.constant 0 : i32
    %dma_start3A_273 = arith.constant 0 : i32
    %dma_start3A_274 = tpu.memref_slice %arg3[%dma_start3A_272, %dma_start3A_273] : memref<100000x128xf32, #tpu.memory_space<hbm>> -> memref<100000x128xf32, #tpu.memory_space<hbm>>
    tpu.enqueue_indirect_dma source(%dma_start3A_274 : memref<100000x128xf32, #tpu.memory_space<hbm>>) target(%arg7 : memref<400x128xf32, #tpu.memory_space<vmem>>) offsets(%dma_start3A_271 : memref<400xi32, #tpu.memory_space<vmem>>) semaphore(%arg9 : memref<!tpu.dma_semaphore, #tpu.memory_space<semaphore_mem>>)
    %dma_wait3A_275 = arith.constant 4800 : i32
    %dma_wait3A_276 = tpu.memref_slice %arg5[%dma_wait3A_275] : memref<6400xi32, #tpu.memory_space<vmem>> -> memref<400xi32, #tpu.memory_space<vmem>>
    %dma_wait3A_277 = arith.constant 0 : i32
    %dma_wait3A_278 = arith.constant 0 : i32
    %dma_wait3A_279 = tpu.memref_slice %arg3[%dma_wait3A_277, %dma_wait3A_278] : memref<100000x128xf32, #tpu.memory_space<hbm>> -> memref<100000x128xf32, #tpu.memory_space<hbm>>
    tpu.wait_indirect_dma semaphore(%arg8 : memref<!tpu.dma_semaphore, #tpu.memory_space<semaphore_mem>>) src(%dma_wait3A_279 : memref<100000x128xf32, #tpu.memory_space<hbm>>) dst(%arg6 : memref<400x128xf32, #tpu.memory_space<vmem>>)
    %add3A_280 = arith.constant 4800 : i32
    %add3A_281 = arith.addi %mul3A_2, %add3A_280 : i32
    %dma_start3A_282 = arith.constant 0 : i32
    %dma_start3A_283 = tpu.memref_slice %arg4[%add3A_281, %dma_start3A_282] : memref<204800x128xf32, #tpu.memory_space<hbm>> -> memref<400x128xf32, #tpu.memory_space<hbm>>
    %dma_start3A_284 = arith.constant 0 : i32
    %dma_start3A_285 = tpu.memref_slice %arg4[%add3A_281, %dma_start3A_284] : memref<204800x128xf32, #tpu.memory_space<hbm>> -> memref<400x128xf32, #tpu.memory_space<hbm>>
    tpu.enqueue_dma source(%arg6 : memref<400x128xf32, #tpu.memory_space<vmem>>) target(%dma_start3A_285 : memref<400x128xf32, #tpu.memory_space<hbm>>) target_semaphore(%arg10 : memref<!tpu.dma_semaphore, #tpu.memory_space<semaphore_mem>>)
    %add3A_286 = arith.constant 4800 : i32
    %add3A_287 = arith.addi %mul3A_2, %add3A_286 : i32
    %dma_wait3A_288 = arith.constant 0 : i32
    %dma_wait3A_289 = tpu.memref_slice %arg4[%add3A_287, %dma_wait3A_288] : memref<204800x128xf32, #tpu.memory_space<hbm>> -> memref<400x128xf32, #tpu.memory_space<hbm>>
    %dma_wait3A_290 = arith.constant 0 : i32
    %dma_wait3A_291 = tpu.memref_slice %arg4[%add3A_287, %dma_wait3A_290] : memref<204800x128xf32, #tpu.memory_space<hbm>> -> memref<400x128xf32, #tpu.memory_space<hbm>>
    tpu.wait_dma2 semaphore(%arg10 : memref<!tpu.dma_semaphore, #tpu.memory_space<semaphore_mem>>) src(%arg6 : memref<400x128xf32, #tpu.memory_space<vmem>>) dst(%dma_wait3A_291 : memref<400x128xf32, #tpu.memory_space<hbm>>)
    %dma_start3A_292 = arith.constant 5600 : i32
    %dma_start3A_293 = tpu.memref_slice %arg5[%dma_start3A_292] : memref<6400xi32, #tpu.memory_space<vmem>> -> memref<400xi32, #tpu.memory_space<vmem>>
    %dma_start3A_294 = arith.constant 0 : i32
    %dma_start3A_295 = arith.constant 0 : i32
    %dma_start3A_296 = tpu.memref_slice %arg3[%dma_start3A_294, %dma_start3A_295] : memref<100000x128xf32, #tpu.memory_space<hbm>> -> memref<100000x128xf32, #tpu.memory_space<hbm>>
    tpu.enqueue_indirect_dma source(%dma_start3A_296 : memref<100000x128xf32, #tpu.memory_space<hbm>>) target(%arg6 : memref<400x128xf32, #tpu.memory_space<vmem>>) offsets(%dma_start3A_293 : memref<400xi32, #tpu.memory_space<vmem>>) semaphore(%arg8 : memref<!tpu.dma_semaphore, #tpu.memory_space<semaphore_mem>>)
    %dma_wait3A_297 = arith.constant 5200 : i32
    %dma_wait3A_298 = tpu.memref_slice %arg5[%dma_wait3A_297] : memref<6400xi32, #tpu.memory_space<vmem>> -> memref<400xi32, #tpu.memory_space<vmem>>
    %dma_wait3A_299 = arith.constant 0 : i32
    %dma_wait3A_300 = arith.constant 0 : i32
    %dma_wait3A_301 = tpu.memref_slice %arg3[%dma_wait3A_299, %dma_wait3A_300] : memref<100000x128xf32, #tpu.memory_space<hbm>> -> memref<100000x128xf32, #tpu.memory_space<hbm>>
    tpu.wait_indirect_dma semaphore(%arg9 : memref<!tpu.dma_semaphore, #tpu.memory_space<semaphore_mem>>) src(%dma_wait3A_301 : memref<100000x128xf32, #tpu.memory_space<hbm>>) dst(%arg7 : memref<400x128xf32, #tpu.memory_space<vmem>>)
    %add3A_302 = arith.constant 5200 : i32
    %add3A_303 = arith.addi %mul3A_2, %add3A_302 : i32
    %dma_start3A_304 = arith.constant 0 : i32
    %dma_start3A_305 = tpu.memref_slice %arg4[%add3A_303, %dma_start3A_304] : memref<204800x128xf32, #tpu.memory_space<hbm>> -> memref<400x128xf32, #tpu.memory_space<hbm>>
    %dma_start3A_306 = arith.constant 0 : i32
    %dma_start3A_307 = tpu.memref_slice %arg4[%add3A_303, %dma_start3A_306] : memref<204800x128xf32, #tpu.memory_space<hbm>> -> memref<400x128xf32, #tpu.memory_space<hbm>>
    tpu.enqueue_dma source(%arg7 : memref<400x128xf32, #tpu.memory_space<vmem>>) target(%dma_start3A_307 : memref<400x128xf32, #tpu.memory_space<hbm>>) target_semaphore(%arg11 : memref<!tpu.dma_semaphore, #tpu.memory_space<semaphore_mem>>)
    %add3A_308 = arith.constant 5200 : i32
    %add3A_309 = arith.addi %mul3A_2, %add3A_308 : i32
    %dma_wait3A_310 = arith.constant 0 : i32
    %dma_wait3A_311 = tpu.memref_slice %arg4[%add3A_309, %dma_wait3A_310] : memref<204800x128xf32, #tpu.memory_space<hbm>> -> memref<400x128xf32, #tpu.memory_space<hbm>>
    %dma_wait3A_312 = arith.constant 0 : i32
    %dma_wait3A_313 = tpu.memref_slice %arg4[%add3A_309, %dma_wait3A_312] : memref<204800x128xf32, #tpu.memory_space<hbm>> -> memref<400x128xf32, #tpu.memory_space<hbm>>
    tpu.wait_dma2 semaphore(%arg11 : memref<!tpu.dma_semaphore, #tpu.memory_space<semaphore_mem>>) src(%arg7 : memref<400x128xf32, #tpu.memory_space<vmem>>) dst(%dma_wait3A_313 : memref<400x128xf32, #tpu.memory_space<hbm>>)
    %dma_start3A_314 = arith.constant 6000 : i32
    %dma_start3A_315 = tpu.memref_slice %arg5[%dma_start3A_314] : memref<6400xi32, #tpu.memory_space<vmem>> -> memref<400xi32, #tpu.memory_space<vmem>>
    %dma_start3A_316 = arith.constant 0 : i32
    %dma_start3A_317 = arith.constant 0 : i32
    %dma_start3A_318 = tpu.memref_slice %arg3[%dma_start3A_316, %dma_start3A_317] : memref<100000x128xf32, #tpu.memory_space<hbm>> -> memref<100000x128xf32, #tpu.memory_space<hbm>>
    tpu.enqueue_indirect_dma source(%dma_start3A_318 : memref<100000x128xf32, #tpu.memory_space<hbm>>) target(%arg7 : memref<400x128xf32, #tpu.memory_space<vmem>>) offsets(%dma_start3A_315 : memref<400xi32, #tpu.memory_space<vmem>>) semaphore(%arg9 : memref<!tpu.dma_semaphore, #tpu.memory_space<semaphore_mem>>)
    %dma_wait3A_319 = arith.constant 5600 : i32
    %dma_wait3A_320 = tpu.memref_slice %arg5[%dma_wait3A_319] : memref<6400xi32, #tpu.memory_space<vmem>> -> memref<400xi32, #tpu.memory_space<vmem>>
    %dma_wait3A_321 = arith.constant 0 : i32
    %dma_wait3A_322 = arith.constant 0 : i32
    %dma_wait3A_323 = tpu.memref_slice %arg3[%dma_wait3A_321, %dma_wait3A_322] : memref<100000x128xf32, #tpu.memory_space<hbm>> -> memref<100000x128xf32, #tpu.memory_space<hbm>>
    tpu.wait_indirect_dma semaphore(%arg8 : memref<!tpu.dma_semaphore, #tpu.memory_space<semaphore_mem>>) src(%dma_wait3A_323 : memref<100000x128xf32, #tpu.memory_space<hbm>>) dst(%arg6 : memref<400x128xf32, #tpu.memory_space<vmem>>)
    %add3A_324 = arith.constant 5600 : i32
    %add3A_325 = arith.addi %mul3A_2, %add3A_324 : i32
    %dma_start3A_326 = arith.constant 0 : i32
    %dma_start3A_327 = tpu.memref_slice %arg4[%add3A_325, %dma_start3A_326] : memref<204800x128xf32, #tpu.memory_space<hbm>> -> memref<400x128xf32, #tpu.memory_space<hbm>>
    %dma_start3A_328 = arith.constant 0 : i32
    %dma_start3A_329 = tpu.memref_slice %arg4[%add3A_325, %dma_start3A_328] : memref<204800x128xf32, #tpu.memory_space<hbm>> -> memref<400x128xf32, #tpu.memory_space<hbm>>
    tpu.enqueue_dma source(%arg6 : memref<400x128xf32, #tpu.memory_space<vmem>>) target(%dma_start3A_329 : memref<400x128xf32, #tpu.memory_space<hbm>>) target_semaphore(%arg10 : memref<!tpu.dma_semaphore, #tpu.memory_space<semaphore_mem>>)
    %dma_wait3A_330 = arith.constant 6000 : i32
    %dma_wait3A_331 = tpu.memref_slice %arg5[%dma_wait3A_330] : memref<6400xi32, #tpu.memory_space<vmem>> -> memref<400xi32, #tpu.memory_space<vmem>>
    %dma_wait3A_332 = arith.constant 0 : i32
    %dma_wait3A_333 = arith.constant 0 : i32
    %dma_wait3A_334 = tpu.memref_slice %arg3[%dma_wait3A_332, %dma_wait3A_333] : memref<100000x128xf32, #tpu.memory_space<hbm>> -> memref<100000x128xf32, #tpu.memory_space<hbm>>
    tpu.wait_indirect_dma semaphore(%arg9 : memref<!tpu.dma_semaphore, #tpu.memory_space<semaphore_mem>>) src(%dma_wait3A_334 : memref<100000x128xf32, #tpu.memory_space<hbm>>) dst(%arg7 : memref<400x128xf32, #tpu.memory_space<vmem>>)
    %add3A_335 = arith.constant 6000 : i32
    %add3A_336 = arith.addi %mul3A_2, %add3A_335 : i32
    %dma_start3A_337 = arith.constant 0 : i32
    %dma_start3A_338 = tpu.memref_slice %arg4[%add3A_336, %dma_start3A_337] : memref<204800x128xf32, #tpu.memory_space<hbm>> -> memref<400x128xf32, #tpu.memory_space<hbm>>
    %dma_start3A_339 = arith.constant 0 : i32
    %dma_start3A_340 = tpu.memref_slice %arg4[%add3A_336, %dma_start3A_339] : memref<204800x128xf32, #tpu.memory_space<hbm>> -> memref<400x128xf32, #tpu.memory_space<hbm>>
    tpu.enqueue_dma source(%arg7 : memref<400x128xf32, #tpu.memory_space<vmem>>) target(%dma_start3A_340 : memref<400x128xf32, #tpu.memory_space<hbm>>) target_semaphore(%arg11 : memref<!tpu.dma_semaphore, #tpu.memory_space<semaphore_mem>>)
    %add3A_341 = arith.constant 5600 : i32
    %add3A_342 = arith.addi %mul3A_2, %add3A_341 : i32
    %dma_wait3A_343 = arith.constant 0 : i32
    %dma_wait3A_344 = tpu.memref_slice %arg4[%add3A_342, %dma_wait3A_343] : memref<204800x128xf32, #tpu.memory_space<hbm>> -> memref<400x128xf32, #tpu.memory_space<hbm>>
    %dma_wait3A_345 = arith.constant 0 : i32
    %dma_wait3A_346 = tpu.memref_slice %arg4[%add3A_342, %dma_wait3A_345] : memref<204800x128xf32, #tpu.memory_space<hbm>> -> memref<400x128xf32, #tpu.memory_space<hbm>>
    tpu.wait_dma2 semaphore(%arg10 : memref<!tpu.dma_semaphore, #tpu.memory_space<semaphore_mem>>) src(%arg6 : memref<400x128xf32, #tpu.memory_space<vmem>>) dst(%dma_wait3A_346 : memref<400x128xf32, #tpu.memory_space<hbm>>)
    %add3A_347 = arith.constant 6000 : i32
    %add3A_348 = arith.addi %mul3A_2, %add3A_347 : i32
    %dma_wait3A_349 = arith.constant 0 : i32
    %dma_wait3A_350 = tpu.memref_slice %arg4[%add3A_348, %dma_wait3A_349] : memref<204800x128xf32, #tpu.memory_space<hbm>> -> memref<400x128xf32, #tpu.memory_space<hbm>>
    %dma_wait3A_351 = arith.constant 0 : i32
    %dma_wait3A_352 = tpu.memref_slice %arg4[%add3A_348, %dma_wait3A_351] : memref<204800x128xf32, #tpu.memory_space<hbm>> -> memref<400x128xf32, #tpu.memory_space<hbm>>
    tpu.wait_dma2 semaphore(%arg11 : memref<!tpu.dma_semaphore, #tpu.memory_space<semaphore_mem>>) src(%arg7 : memref<400x128xf32, #tpu.memory_space<vmem>>) dst(%dma_wait3A_352 : memref<400x128xf32, #tpu.memory_space<hbm>>)
    return
  }
}

</mosaic_0001>

<sc_bundles>
// kernel: kernel.3.cloned.1.call-start
scs
__scs_entry_jumppad:
0x0: {  	(pc) =	sbr.rel $0x88, $3  }
0x1: {  	(tag) =	ssettag $0x0;
	lr =	simm.s32 $0x1  }
0x2: {  	[smem:$0x3F9F] =	sst lr;
	_ =	strace $0xD0000000  }
0x3: {  	_ = 	snop  }
0x4: {  	_ = 	snop  }
0x5: {  	_ = 	snop  }
0x6: {  	_ = 	snop  }
0x7: {  	_ = 	snop  }
__scs_overlays_trampoline_lowered:
0x8: {  	[smem:$0x3FAE] =	sst s0  }
0x9: {  	[smem:$0x3FAF] =	sst s1  }
0xa: {  	[smem:$0x3FB0] =	sst s2  }
0xb: {  	[smem:$0x3FB1] =	sst s3  }
0xc: {  	[smem:$0x3FB2] =	sst s4  }
0xd: {  	[smem:$0x3FB3] =	sst s5  }
0xe: {  	[smem:$0x3FB4] =	sst s6  }
0xf: {  	[smem:$0x3FB5] =	sst s7  }
0x10: {  	[smem:$0x3FB6] =	sst s8  }
0x11: {  	[smem:$0x3FB7] =	sst s9;
	s0 =	simm.s32 @!p0 $0x0  }
0x12: {  	s1 =	sld [smem:$0x3F9D];
	s0 =	simm.s32 @p0 $0x1  }
0x13: {  	[smem:$0x3FB8] =	sst s0;
	s0 =	simm.s32 @!p1 $0x0  }
0x14: {  	s2 =	sld [smem:$0x3F9C];
	s0 =	simm.s32 @p1 $0x1  }
0x15: {  	[smem:$0x3FB9] =	sst s0;
	s0 =	simm.s32 @!p2 $0x0  }
0x16: {  	s3 =	sld [smem:$0x3FDB];
	s0 =	simm.s32 @p2 $0x1  }
0x17: {  	s4 =	simm.s32 $0x1BF5;
	[smem:$0x3FBB] =	sst s0  }
0x18: {  	s0 =	sld [smem:$0x3F9E];
	_ =	swait.ge [sflag:s4], $0x0  }
0x19: {  	s7 =	sld [smem:$0x3F9F]  }
0x1a: {  	s8 =	sadd.s32 $0xFFFFE003, lr  }
0x1b: {  	s9 =	sadd.s32 $0xFFFFFEF7, lr;
	s5 =	simm.s32 $0xFFFFFFFF;
	p2 =	slt.u32 s8, $0xFFFFF086  }
0x1c: {  	p1 =	slt.u32 s9, $0xF7A;
	s5 =	simm.s32 @!p2 $0x0  }
0x1d: {  	s5 =	simm.s32 @p1 $0x1;
	p0 =	seq.s32 s7, s2  }
0x1e: {  	s7 =	smul.u32 @!p0 $0xF7A, s2;
	p2 =	seq.s32 @!p0 s5, $0x0  }
0x1f: {  	s9 =	smul.u32 $0xF7A, s1;
	s8 =	simm.s32 @!p0 $0x1BF5;
	p2 =	por !p2, p0  }
0x20: {  	[sflag:s8] =	ssyncset.s32 @!p0 $0xFFFFF086;
	s6 =	sadd.s32 @!p0 s3, s7;
	s7 =	simm.s32 @!p0 $0x108  }
0x21: {  	s3 =	sadd.s32 s3, s9;
	s6 =	sadd.s32 @!p0 $0x88, s6;
	s7 =	simm.s32 @p2 $0x1082  }
0x22: {  	[simem:s7], [sflag:s8] =	dma.local @!p0 [hbm:s6], $0xF7A  }
0x23: {  	s9 =	sor.u32 $0xD0000000, s2;
	s6 =	simm.s32 $0x108;
	_ =	swait.ge @!p0 [sflag:s8], $0x0  }
0x24: {  	s3 =	sadd.s32 $0x88, s3;
	s6 =	simm.s32 @!p1 $0x1082;
	[sflag:s4] =	ssyncset.s32 $0xFFFFF086  }
0x25: {  	[simem:s6], [sflag:s4] =	dma.local [hbm:s3], $0xF7A  }
0x26: {  	[smem:$0x3F9F] =	sst s1;
	(tag) =	ssettag s2;
	_ =	strace s9  }
0x27: {  	s1 =	sld [smem:$0x3FAF]  }
0x28: {  	s2 =	sld [smem:$0x3FB0]  }
0x29: {  	s4 =	sld [smem:$0x3FB2]  }
0x2a: {  	p0 =	seq.s32 s5, $0x0;
	s5 =	sld [smem:$0x3FB3]  }
0x2b: {  	s6 =	sld [smem:$0x3FB4]  }
0x2c: {  	s7 =	sld [smem:$0x3FB5]  }
0x2d: {  	s3 =	simm.s32 $0x108;
	s8 =	sld [smem:$0x3FB6]  }
0x2e: {  	s3 =	simm.s32 @!p0 $0x1082;
	s9 =	sld [smem:$0x3FB7]  }
0x2f: {  	lr =	sadd.s32 s0, s3;
	s0 =	sld [smem:$0x3FAE]  }
0x30: {  	s3 =	sld [smem:$0x3FB1]  }
0x31: {  	[smem:$0x3FBA] =	sst s10  }
0x32: {  	s10 =	sld [smem:$0x3FB8];
	_ =	sdelay $0x3  }
0x33: {  	p0 =	seq.s32 s10, $0x1;
	s10 =	sld [smem:$0x3FBA];
	_ =	sdelay $0x3  }
0x34: {  	[smem:$0x3FBA] =	sst s10  }
0x35: {  	s10 =	sld [smem:$0x3FB9];
	_ =	sdelay $0x3  }
0x36: {  	p1 =	seq.s32 s10, $0x1;
	s10 =	sld [smem:$0x3FBA];
	_ =	sdelay $0x3  }
0x37: {  	[smem:$0x3FBA] =	sst s10  }
0x38: {  	s10 =	sld [smem:$0x3FBB]  }
0x39: {  	_ = 	snop;
	(pc) =	sbr.ind lr, $3  }
0x3a: {  	_ = 	snop  }
0x3b: {  	_ = 	snop  }
0x3c: {  	p2 =	seq.s32 s10, $0x1;
	s10 =	sld [smem:$0x3FBA]  }
0x3d: {  	_ =	shalt  }
0x3e: {  	_ =	shalt  }
0x3f: {  	_ =	shalt  }
0x40: {  	_ =	shalt  }
0x41: {  	_ =	shalt  }
0x42: {  	_ =	shalt  }
0x43: {  	_ =	shalt  }
0x44: {  	_ =	shalt  }
0x45: {  	_ =	shalt  }
0x46: {  	_ =	shalt  }
0x47: {  	_ =	shalt  }
0x48: {  	_ =	shalt  }
0x49: {  	_ =	shalt  }
0x4a: {  	_ =	shalt  }
0x4b: {  	_ =	shalt  }
0x4c: {  	_ =	shalt  }
0x4d: {  	_ =	shalt  }
0x4e: {  	_ =	shalt  }
0x4f: {  	_ =	shalt  }
0x50: {  	_ =	shalt  }
0x51: {  	_ =	shalt  }
0x52: {  	_ =	shalt  }
0x53: {  	_ =	shalt  }
0x54: {  	_ =	shalt  }
0x55: {  	_ =	shalt  }
0x56: {  	_ =	shalt  }
0x57: {  	_ =	shalt  }
0x58: {  	_ =	shalt  }
0x59: {  	_ =	shalt  }
0x5a: {  	_ =	shalt  }
0x5b: {  	_ =	shalt  }
0x5c: {  	_ =	shalt  }
0x5d: {  	_ =	shalt  }
0x5e: {  	_ =	shalt  }
0x5f: {  	_ =	shalt  }
0x60: {  	_ =	shalt  }
0x61: {  	_ =	shalt  }
0x62: {  	_ =	shalt  }
0x63: {  	_ =	shalt  }
0x64: {  	_ =	shalt  }
0x65: {  	_ =	shalt  }
0x66: {  	_ =	shalt  }
0x67: {  	_ =	shalt  }
0x68: {  	_ =	shalt  }
0x69: {  	_ =	shalt  }
0x6a: {  	_ =	shalt  }
0x6b: {  	_ =	shalt  }
0x6c: {  	_ =	shalt  }
0x6d: {  	_ =	shalt  }
0x6e: {  	_ =	shalt  }
0x6f: {  	_ =	shalt  }
0x70: {  	_ =	shalt  }
0x71: {  	_ =	shalt  }
0x72: {  	_ =	shalt  }
0x73: {  	_ =	shalt  }
0x74: {  	_ =	shalt  }
0x75: {  	_ =	shalt  }
0x76: {  	_ =	shalt  }
0x77: {  	_ =	shalt  }
0x78: {  	_ =	shalt  }
0x79: {  	_ =	shalt  }
0x7a: {  	_ =	shalt  }
0x7b: {  	_ =	shalt  }
0x7c: {  	_ =	shalt  }
0x7d: {  	_ =	shalt  }
0x7e: {  	_ =	shalt  }
0x7f: {  	_ =	shalt  }
0x80: {  	_ =	shalt  }
0x81: {  	_ =	shalt  }
0x82: {  	_ =	shalt  }
0x83: {  	_ =	shalt  }
0x84: {  	_ =	shalt  }
0x85: {  	_ =	shalt  }
0x86: {  	_ =	shalt  }
0x87: {  	_ =	shalt  }
.Lfunc_end0:
.L_simem_size_0:
called_computation_lowered:
.L_overlay_start_0:
0x88: {  	s2 =	sld [smem:$0x3FD9]  }
0x89: {  	s3 =	sld [smem:$0x3FFE];
	_ =	sdelay $0x1  }
0x8a: {  	s1 =	srdreg.scid  }
0x8b: {  	s0 =	sand.u32 $0x1, s1  }
0x8c: {  	s17 =	sshll.u32 s0, $0xA;
	s2 =	sadd.s32 s3, s2  }
0x8d: {  	s2 =	sadd.s32 s2, s17  }
0x8e: {  	[smem:$0x3FC6] =	sst s2  }
0x8f: {  	_ = 	snop  }
0x90: {  	s2 =	sld [smem:$0x3FC8]  }
0x91: {  	s18 =	sld [smem:$0x3FD0];
	(tm) =	ssettm $0x1  }
0x92: {  	s4 =	sld [smem:$0x3FFB];
	_ =	sdelay $0x3  }
0x93: {  	_ =	strace s4  }
0x94: {  	s4 =	sld [smem:$0x3FFC];
	_ =	sdelay $0x3  }
0x95: {  	_ =	strace s4  }
0x96: {  	s4 =	sld [smem:$0x3FFD];
	_ =	sdelay $0x3  }
0x97: {  	_ =	strace s4  }
0x98: {  	_ =	strace $0x8FFFFFFF  }
0x99: {  	s19 =	sld [smem:$0x3FDB];
	_ =	sdelay $0x1  }
0x9a: {  	s5 =	simm.s32 $_scs_section_size  }
0x9b: {  	s6 =	simm.s32 $_size__tile_overlayer_lowered;
	s7 =	simm.s32 $_tile_overlayer_lowered  }
0x9c: {  	s22 =	simm.s32 $0x1BFF;
	s21 =	sshll.u32 s7, $0x1;
	s4 =	sadd.s32 s5, s19  }
0x9d: {  	s8 =	simm.s32 $0x0;
	s20 =	sshll.u32 s6, $0x1;
	s6 =	sadd.s32 s21, s4  }
0x9e: {  	[timem:s8], [sflag:s22] =	dma.local [hbm:s6], s20  }
0x9f: {  	_ =	swait.ge [sflag:s22], s20  }
0xa0: {  	s5 =	ssub.s32 $0x0, s20;
	[sflag:s22] =	ssyncset.done $0x0  }
0xa1: {  	[sflag:s22] =	ssyncadd.s32 s5;
	_ =	sdelay $0x1  }
0xa2: {  	s23 =	simm.s32 $0x1B8B  }
0xa3: {  	_ =	swait.ge [sflag:s23], $0x1  }
0xa4: {  	[sflag:s23] =	ssyncset.done $0x0  }
0xa5: {  	s25 =	simm.s32 $0x1B8E;
	s24 =	sld [smem:$0x3FFE];
	[sflag:s23] =	ssyncadd.s32 $0xFFFFFFFF  }
0xa6: {  	s26 =	simm.s32 $execute0_lowered;
	[smem:$0x3FD2] =	sst s25  }
0xa7: {  	s6 =	sshll.u32 s26, $0x1;
	_ =	strace $0x80000046;
	[dreg:$0x1] =	wrdreg $0xFFFFFFFF  }
0xa8: {  	s28 =	simm.s32 $_size_execute0_lowered;
	s4 =	sadd.s32 s4, s6;
	[dreg:$0x0] =	wrdreg $0x0  }
0xa9: {  	s6 =	sshll.u32 s28, $0x1;
	[dreg:$0x2] =	wrdreg s4  }
0xaa: {  	[dreg:$0x3] =	wrdreg s6  }
0xab: {  	[dreg:$0x4] =	wrdreg $0xC0  }
0xac: {  	_ =	task [dreg:s8], $0x5FFFF  }
0xad: {  	[dreg:$0x1] =	wrdreg $0xFFFFFFFF  }
0xae: {  	[dreg:$0x0] =	wrdreg $0x60  }
0xaf: {  	[dreg:$0x2] =	wrdreg s24  }
0xb0: {  	[dreg:$0x3] =	wrdreg s2  }
0xb1: {  	[dreg:$0x4] =	wrdreg s18  }
0xb2: {  	[dreg:$0x5] =	wrdreg $0x9  }
0xb3: {  	_ =	task.clear_ibuf [dreg:s8], $0x6FFFF;
	_ =	strace $0x90000046  }
0xb4: {  	s29 =	simm.s32 $0x9;
	_ =	strace $0x80000048  }
0xb5: {  	_ =	swait.ge [sflag:s29], $0x1  }
0xb6: {  	[sflag:s29] =	ssyncadd.s32 $0xFFFFFFFF  }
0xb7: {  	_ =	strace $0x90000048  }
0xb8: {  	_ =	sfence  }
0xb9: {  	s30 =	sld [smem:$0x0];
	_ =	sdelay $0x2  }
0xba: {  	s31 =	sshll.u32 s1, $0xD;
	s1 =	sshrl.u32 s1, $0x2  }
0xbb: {  	s3 =	sand.u32 $0x4000, s31;
	s1 =	sadd.s32 s1, s30  }
0xbc: {  	s0 =	sor.u32 s3, s0;
	s1 =	sshll.u32 s1, $0x11  }
0xbd: {  	s0 =	sor.u32 s1, s0  }
0xbe: {  	s0 =	sadd.s32 $0x8F2B, s0  }
0xbf: {  	[sflag:s0] =	ssyncadd.remote.s32 $0x1  }
0xc0: {  	_ =	sfence.sel $0xFFFF  }
0xc1: {  	[dreg:$0x0] =	wrdreg $0xFFFFFFFF;
	(pc) =	sbr.abs _section_cstart, $3  }
0xc2: {  	[dreg:$0x1] =	wrdreg $0xFFFFFFFF  }
0xc3: {  	_ =	task.clear_ibuf [dreg:s8], $0x2FFFF;
	_ =	strace $0x9FFFFFFF  }
0xc4: {  	(tm) =	ssettm $0x7FFFFFFF  }
0xc5: {  	_ =	shalt  }
tec
execute0_lowered:
.L_overlay_start_1:
0x0: {  	(tag) =	ssettag $0x1  }
0x1: {  	s1 =	srdreg.scid;
	s0 =	stileid.u32  }
0x2: {  	s1 =	sand.u32 $0x1, s1;
	s3 =	sshll.u32 s0, $0x1  }
0x3: {  	s5 =	sor.u32 s1, s3  }
0x4: {  	s4 =	rddreg [dreg:$0x0];
	s7 =	smul.u32 $0x320, s5  }
0x5: {  	s2 =	rddreg [dreg:$0x1];
	s3 =	simm.s32 $0x0;
	s8 =	smul.u32 $0xC8000, s5  }
0x6: {  	[smem:$0x7FF] =	sst s3;
	s5 =	smul.u32 $0x19000, s5  }
0x7: {  	s6 =	rddreg [dreg:$0x2];
	_ =	strace $0x80000047  }
0x8: {  	s4 =	sadd.s32 s7, s4;
	s14 =	sshrl.u32 s8, $0x3;
	s15 =	sadd.s32 s6, s5  }
0x9: {  	s4 =	sadd.s32 $0x400, s4;
	s31 =	sadd.s32 s6, s14;
	[dreg:$0x5] =	wrdreg s15  }
0xa: {  	[dreg:$0x4] =	wrdreg s4;
	s16 =	sadd.s32 $0x1900, s31  }
0xb: {  	s17 =	sadd.s32 $0x3200, s31;
	[dreg:$0x6] =	wrdreg s16  }
0xc: {  	s18 =	sadd.s32 $0x4B00, s31;
	[dreg:$0x7] =	wrdreg s17  }
0xd: {  	s19 =	sadd.s32 $0x6400, s31;
	[dreg:$0x8] =	wrdreg s18  }
0xe: {  	s20 =	sadd.s32 $0x7D00, s31;
	[dreg:$0x9] =	wrdreg s19  }
0xf: {  	s21 =	sadd.s32 $0x9600, s31;
	[dreg:$0xa] =	wrdreg s20  }
0x10: {  	s22 =	sadd.s32 $0xAF00, s31;
	[dreg:$0xb] =	wrdreg s21  }
0x11: {  	s23 =	sadd.s32 $0xC800, s31;
	[dreg:$0xc] =	wrdreg s22  }
0x12: {  	[dreg:$0xd] =	wrdreg s23  }
0x13: {  	s24 =	sadd.s32 $0xE100, s31;
	s25 =	rddreg [dreg:$0x4]  }
0x14: {  	s26 =	sadd.s32 $0xFA00, s31;
	[dreg:$0xe] =	wrdreg s24  }
0x15: {  	s4 =	simm.s32 $0x5;
	[dreg:$0xf] =	wrdreg s26  }
0x16: {  	[tilespmem:s3], [sflag:$0x5] =	stream.linear.gather [hbm4b:s25+s3], $0x1900, $0x38;
	[tilespmem:$0x1A900] =	vst v63  }
0x17: {  	_ =	swait.ge [sflag:s4], $0x1900  }
0x18: {  	[sflag:s4] =	ssyncset.done $0x0  }
0x19: {  	s5 =	simm.s32 $0x190;
	s6 =	simm.s32 $0x1900;
	[sflag:s4] =	ssyncadd.s32 $0xFFFFE700  }
0x1a: {  	[tilespmem:s6], [sflag:$0x1] =	stream.indirect.gather [hbm4b:s2+s5], $0x80, s3, s5, $0xb8;
	[tilespmem:$0x1A900] =	vst v63  }
0x1b: {  	s7 =	simm.s32 $0xE100;
	s8 =	simm.s32 $0x1  }
0x1c: {  	[tilespmem:s7], [sflag:$0x2] =	stream.indirect.gather [hbm4b:s2+s5], $0x80, s5, s5, $0xb8;
	[tilespmem:$0x1A900] =	vst v63  }
0x1d: {  	_ =	swait.ge [sflag:s8], $0xC800  }
0x1e: {  	[sflag:s8] =	ssyncset.done $0x0  }
0x1f: {  	s9 =	simm.s32 $0x3;
	s10 =	rddreg [dreg:$0x5];
	[sflag:s8] =	ssyncadd.s32 $0xFFFF3800  }
0x20: {  	[hbm4b:s10+s3] =	stream.linear.scatter [tilespmem:s6], [sflag:$0x3], $0xC800, $0x38;
	[tilespmem:$0x1A900] =	vst v63  }
0x21: {  	_ =	swait.ge [sflag:s9], $0xC800  }
0x22: {  	[sflag:s9] =	ssyncset.done $0x0  }
0x23: {  	s11 =	simm.s32 $0x2;
	s10 =	simm.s32 $0x320;
	[sflag:s9] =	ssyncadd.s32 $0xFFFF3800  }
0x24: {  	[tilespmem:s6], [sflag:$0x1] =	stream.indirect.gather [hbm4b:s2+s5], $0x80, s10, s5, $0xb8;
	[tilespmem:$0x1A900] =	vst v63  }
0x25: {  	_ =	swait.ge [sflag:s11], $0xC800  }
0x26: {  	[sflag:s11] =	ssyncset.done $0x0  }
0x27: {  	s12 =	simm.s32 $0x4;
	s13 =	rddreg [dreg:$0x6];
	[sflag:s11] =	ssyncadd.s32 $0xFFFF3800  }
0x28: {  	[hbm4b:s13+s3] =	stream.linear.scatter [tilespmem:s7], [sflag:$0x4], $0xC800, $0x38;
	[tilespmem:$0x1A900] =	vst v63  }
0x29: {  	_ =	swait.ge [sflag:s12], $0xC800  }
0x2a: {  	[sflag:s12] =	ssyncset.done $0x0  }
0x2b: {  	s13 =	simm.s32 $0x4B0;
	[sflag:s12] =	ssyncadd.s32 $0xFFFF3800  }
0x2c: {  	[tilespmem:s7], [sflag:$0x2] =	stream.indirect.gather [hbm4b:s2+s5], $0x80, s13, s5, $0xb8;
	[tilespmem:$0x1A900] =	vst v63  }
0x2d: {  	_ =	swait.ge [sflag:s8], $0xC800  }
0x2e: {  	[sflag:s8] =	ssyncset.done $0x0  }
0x2f: {  	s14 =	rddreg [dreg:$0x7];
	[sflag:s8] =	ssyncadd.s32 $0xFFFF3800  }
0x30: {  	[hbm4b:s14+s3] =	stream.linear.scatter [tilespmem:s6], [sflag:$0x3], $0xC800, $0x38;
	[tilespmem:$0x1A900] =	vst v63  }
0x31: {  	_ =	swait.ge [sflag:s9], $0xC800  }
0x32: {  	[sflag:s9] =	ssyncset.done $0x0  }
0x33: {  	s14 =	simm.s32 $0x640;
	[sflag:s9] =	ssyncadd.s32 $0xFFFF3800  }
0x34: {  	[tilespmem:s6], [sflag:$0x1] =	stream.indirect.gather [hbm4b:s2+s5], $0x80, s14, s5, $0xb8;
	[tilespmem:$0x1A900] =	vst v63  }
0x35: {  	_ =	swait.ge [sflag:s11], $0xC800  }
0x36: {  	[sflag:s11] =	ssyncset.done $0x0  }
0x37: {  	s15 =	rddreg [dreg:$0x8];
	[sflag:s11] =	ssyncadd.s32 $0xFFFF3800  }
0x38: {  	[hbm4b:s15+s3] =	stream.linear.scatter [tilespmem:s7], [sflag:$0x4], $0xC800, $0x38;
	[tilespmem:$0x1A900] =	vst v63  }
0x39: {  	_ =	swait.ge [sflag:s12], $0xC800  }
0x3a: {  	[sflag:s12] =	ssyncset.done $0x0  }
0x3b: {  	s15 =	simm.s32 $0x7D0;
	[sflag:s12] =	ssyncadd.s32 $0xFFFF3800  }
0x3c: {  	[tilespmem:s7], [sflag:$0x2] =	stream.indirect.gather [hbm4b:s2+s5], $0x80, s15, s5, $0xb8;
	[tilespmem:$0x1A900] =	vst v63  }
0x3d: {  	_ =	swait.ge [sflag:s8], $0xC800  }
0x3e: {  	[sflag:s8] =	ssyncset.done $0x0  }
0x3f: {  	s16 =	rddreg [dreg:$0x9];
	[sflag:s8] =	ssyncadd.s32 $0xFFFF3800  }
0x40: {  	[hbm4b:s16+s3] =	stream.linear.scatter [tilespmem:s6], [sflag:$0x3], $0xC800, $0x38;
	[tilespmem:$0x1A900] =	vst v63  }
0x41: {  	_ =	swait.ge [sflag:s9], $0xC800  }
0x42: {  	[sflag:s9] =	ssyncset.done $0x0  }
0x43: {  	s16 =	simm.s32 $0x960;
	[sflag:s9] =	ssyncadd.s32 $0xFFFF3800  }
0x44: {  	[tilespmem:s6], [sflag:$0x1] =	stream.indirect.gather [hbm4b:s2+s5], $0x80, s16, s5, $0xb8;
	[tilespmem:$0x1A900] =	vst v63  }
0x45: {  	_ =	swait.ge [sflag:s11], $0xC800  }
0x46: {  	[sflag:s11] =	ssyncset.done $0x0  }
0x47: {  	s17 =	rddreg [dreg:$0xa];
	[sflag:s11] =	ssyncadd.s32 $0xFFFF3800  }
0x48: {  	[hbm4b:s17+s3] =	stream.linear.scatter [tilespmem:s7], [sflag:$0x4], $0xC800, $0x38;
	[tilespmem:$0x1A900] =	vst v63  }
0x49: {  	_ =	swait.ge [sflag:s12], $0xC800  }
0x4a: {  	[sflag:s12] =	ssyncset.done $0x0  }
0x4b: {  	s17 =	simm.s32 $0xAF0;
	[sflag:s12] =	ssyncadd.s32 $0xFFFF3800  }
0x4c: {  	[tilespmem:s7], [sflag:$0x2] =	stream.indirect.gather [hbm4b:s2+s5], $0x80, s17, s5, $0xb8;
	[tilespmem:$0x1A900] =	vst v63  }
0x4d: {  	_ =	swait.ge [sflag:s8], $0xC800  }
0x4e: {  	[sflag:s8] =	ssyncset.done $0x0  }
0x4f: {  	s18 =	rddreg [dreg:$0xb];
	[sflag:s8] =	ssyncadd.s32 $0xFFFF3800  }
0x50: {  	[hbm4b:s18+s3] =	stream.linear.scatter [tilespmem:s6], [sflag:$0x3], $0xC800, $0x38;
	[tilespmem:$0x1A900] =	vst v63  }
0x51: {  	_ =	swait.ge [sflag:s9], $0xC800  }
0x52: {  	[sflag:s9] =	ssyncset.done $0x0  }
0x53: {  	s18 =	simm.s32 $0xC80;
	[sflag:s9] =	ssyncadd.s32 $0xFFFF3800  }
0x54: {  	[tilespmem:s6], [sflag:$0x1] =	stream.indirect.gather [hbm4b:s2+s5], $0x80, s18, s5, $0xb8;
	[tilespmem:$0x1A900] =	vst v63  }
0x55: {  	_ =	swait.ge [sflag:s11], $0xC800  }
0x56: {  	[sflag:s11] =	ssyncset.done $0x0  }
0x57: {  	s19 =	rddreg [dreg:$0xc];
	[sflag:s11] =	ssyncadd.s32 $0xFFFF3800  }
0x58: {  	[hbm4b:s19+s3] =	stream.linear.scatter [tilespmem:s7], [sflag:$0x4], $0xC800, $0x38;
	[tilespmem:$0x1A900] =	vst v63  }
0x59: {  	_ =	swait.ge [sflag:s12], $0xC800  }
0x5a: {  	[sflag:s12] =	ssyncset.done $0x0  }
0x5b: {  	s19 =	simm.s32 $0xE10;
	[sflag:s12] =	ssyncadd.s32 $0xFFFF3800  }
0x5c: {  	[tilespmem:s7], [sflag:$0x2] =	stream.indirect.gather [hbm4b:s2+s5], $0x80, s19, s5, $0xb8;
	[tilespmem:$0x1A900] =	vst v63  }
0x5d: {  	_ =	swait.ge [sflag:s8], $0xC800  }
0x5e: {  	[sflag:s8] =	ssyncset.done $0x0  }
0x5f: {  	s20 =	rddreg [dreg:$0xd];
	[sflag:s8] =	ssyncadd.s32 $0xFFFF3800  }
0x60: {  	[hbm4b:s20+s3] =	stream.linear.scatter [tilespmem:s6], [sflag:$0x3], $0xC800, $0x38;
	[tilespmem:$0x1A900] =	vst v63  }
0x61: {  	_ =	swait.ge [sflag:s9], $0xC800  }
0x62: {  	[sflag:s9] =	ssyncset.done $0x0  }
0x63: {  	s20 =	simm.s32 $0xFA0;
	[sflag:s9] =	ssyncadd.s32 $0xFFFF3800  }
0x64: {  	[tilespmem:s6], [sflag:$0x1] =	stream.indirect.gather [hbm4b:s2+s5], $0x80, s20, s5, $0xb8;
	[tilespmem:$0x1A900] =	vst v63  }
0x65: {  	_ =	swait.ge [sflag:s11], $0xC800  }
0x66: {  	[sflag:s11] =	ssyncset.done $0x0  }
0x67: {  	s21 =	rddreg [dreg:$0xe];
	[sflag:s11] =	ssyncadd.s32 $0xFFFF3800  }
0x68: {  	[hbm4b:s21+s3] =	stream.linear.scatter [tilespmem:s7], [sflag:$0x4], $0xC800, $0x38;
	[tilespmem:$0x1A900] =	vst v63  }
0x69: {  	_ =	swait.ge [sflag:s12], $0xC800  }
0x6a: {  	[sflag:s12] =	ssyncset.done $0x0  }
0x6b: {  	s21 =	simm.s32 $0x1130;
	[sflag:s12] =	ssyncadd.s32 $0xFFFF3800  }
0x6c: {  	[tilespmem:s7], [sflag:$0x2] =	stream.indirect.gather [hbm4b:s2+s5], $0x80, s21, s5, $0xb8;
	[tilespmem:$0x1A900] =	vst v63  }
0x6d: {  	_ =	swait.ge [sflag:s8], $0xC800  }
0x6e: {  	[sflag:s8] =	ssyncset.done $0x0  }
0x6f: {  	s22 =	rddreg [dreg:$0xf];
	[sflag:s8] =	ssyncadd.s32 $0xFFFF3800  }
0x70: {  	[hbm4b:s22+s3] =	stream.linear.scatter [tilespmem:s6], [sflag:$0x3], $0xC800, $0x38;
	[tilespmem:$0x1A900] =	vst v63  }
0x71: {  	_ =	swait.ge [sflag:s9], $0xC800  }
0x72: {  	[sflag:s9] =	ssyncset.done $0x0  }
0x73: {  	s22 =	simm.s32 $0x12C0;
	[sflag:s9] =	ssyncadd.s32 $0xFFFF3800  }
0x74: {  	[tilespmem:s6], [sflag:$0x1] =	stream.indirect.gather [hbm4b:s2+s5], $0x80, s22, s5, $0xb8;
	[tilespmem:$0x1A900] =	vst v63  }
0x75: {  	_ =	swait.ge [sflag:s11], $0xC800  }
0x76: {  	[sflag:s11] =	ssyncset.done $0x0  }
0x77: {  	s23 =	sadd.s32 $0x11300, s31;
	[sflag:s11] =	ssyncadd.s32 $0xFFFF3800  }
0x78: {  	[hbm4b:s23+s3] =	stream.linear.scatter [tilespmem:s7], [sflag:$0x4], $0xC800, $0x38;
	[tilespmem:$0x1A900] =	vst v63  }
0x79: {  	_ =	swait.ge [sflag:s12], $0xC800  }
0x7a: {  	[sflag:s12] =	ssyncset.done $0x0  }
0x7b: {  	s24 =	simm.s32 $0x1450;
	[sflag:s12] =	ssyncadd.s32 $0xFFFF3800  }
0x7c: {  	[tilespmem:s7], [sflag:$0x2] =	stream.indirect.gather [hbm4b:s2+s5], $0x80, s24, s5, $0xb8;
	[tilespmem:$0x1A900] =	vst v63  }
0x7d: {  	_ =	swait.ge [sflag:s8], $0xC800  }
0x7e: {  	[sflag:s8] =	ssyncset.done $0x0  }
0x7f: {  	s25 =	sadd.s32 $0x12C00, s31;
	[sflag:s8] =	ssyncadd.s32 $0xFFFF3800  }
0x80: {  	[hbm4b:s25+s3] =	stream.linear.scatter [tilespmem:s6], [sflag:$0x3], $0xC800, $0x38;
	[tilespmem:$0x1A900] =	vst v63  }
0x81: {  	_ =	swait.ge [sflag:s9], $0xC800  }
0x82: {  	[sflag:s9] =	ssyncset.done $0x0  }
0x83: {  	s26 =	simm.s32 $0x15E0;
	[sflag:s9] =	ssyncadd.s32 $0xFFFF3800  }
0x84: {  	[tilespmem:s6], [sflag:$0x1] =	stream.indirect.gather [hbm4b:s2+s5], $0x80, s26, s5, $0xb8;
	[tilespmem:$0x1A900] =	vst v63  }
0x85: {  	_ =	swait.ge [sflag:s11], $0xC800  }
0x86: {  	[sflag:s11] =	ssyncset.done $0x0  }
0x87: {  	s28 =	sadd.s32 $0x14500, s31;
	[sflag:s11] =	ssyncadd.s32 $0xFFFF3800  }
0x88: {  	[hbm4b:s28+s3] =	stream.linear.scatter [tilespmem:s7], [sflag:$0x4], $0xC800, $0x38;
	[tilespmem:$0x1A900] =	vst v63  }
0x89: {  	_ =	swait.ge [sflag:s12], $0xC800  }
0x8a: {  	[sflag:s12] =	ssyncset.done $0x0  }
0x8b: {  	s29 =	simm.s32 $0x1770;
	[sflag:s12] =	ssyncadd.s32 $0xFFFF3800  }
0x8c: {  	[tilespmem:s7], [sflag:$0x2] =	stream.indirect.gather [hbm4b:s2+s5], $0x80, s29, s5, $0xb8;
	[tilespmem:$0x1A900] =	vst v63  }
0x8d: {  	_ =	swait.ge [sflag:s8], $0xC800  }
0x8e: {  	s1 =	ssub.s32 $0x2, s1;
	[sflag:s8] =	ssyncset.done $0x0  }
0x8f: {  	s0 =	sshrl.u32 s1, $0x1;
	s30 =	sadd.s32 $0x15E00, s31;
	[sflag:s8] =	ssyncadd.s32 $0xFFFF3800  }
0x90: {  	[hbm4b:s30+s3] =	stream.linear.scatter [tilespmem:s6], [sflag:$0x3], $0xC800, $0x38;
	[tilespmem:$0x1A900] =	vst v63  }
0x91: {  	s0 =	ssub.s32 s1, s0;
	_ =	swait.ge [sflag:s11], $0xC800  }
0x92: {  	s0 =	smax.u32 s0, $0x1;
	[sflag:s11] =	ssyncset.done $0x0  }
0x93: {  	p0 =	sne.s32 s0, $0x1;
	s31 =	sadd.s32 $0x17700, s31;
	[sflag:s11] =	ssyncadd.s32 $0xFFFF3800  }
0x94: {  	[hbm4b:s31+s3] =	stream.linear.scatter [tilespmem:s7], [sflag:$0x4], $0xC800, $0x38;
	[tilespmem:$0x1A900] =	vst v63  }
.Ltmp0:
0x95: {  	_ =	swait.ge [sflag:s9], $0xC800;
	(pc) =	sbr.rel @!p0 .LBB2_2-.Ltmp0, $4  }
0x96: {  	[sflag:s9] =	ssyncset.done $0x0  }
0x97: {  	[sflag:s9] =	ssyncadd.s32 $0xFFFF3800  }
0x98: {  	_ =	swait.ge [sflag:s12], $0xC800  }
0x99: {  	s1 =	sadd.s32 $0xFFFFFFFF, s0;
	[sflag:s12] =	ssyncset.done $0x0  }
.LBB2_1:
0x9a: {  	s0 =	rddreg [dreg:$0x4];
	[sflag:s12] =	ssyncadd.s32 $0xFFFF3800  }
0x9b: {  	[tilespmem:s3], [sflag:$0x5] =	stream.linear.gather [hbm4b:s0+s3], $0x1900, $0x38;
	[tilespmem:$0x1A900] =	vst v63  }
0x9c: {  	_ =	swait.ge [sflag:s4], $0x1900  }
0x9d: {  	[sflag:s4] =	ssyncset.done $0x0  }
0x9e: {  	[sflag:s4] =	ssyncadd.s32 $0xFFFFE700  }
0x9f: {  	[tilespmem:s6], [sflag:$0x1] =	stream.indirect.gather [hbm4b:s2+s5], $0x80, s3, s5, $0xb8;
	[tilespmem:$0x1A900] =	vst v63  }
0xa0: {  	_ = 	snop  }
0xa1: {  	[tilespmem:s7], [sflag:$0x2] =	stream.indirect.gather [hbm4b:s2+s5], $0x80, s5, s5, $0xb8;
	[tilespmem:$0x1A900] =	vst v63  }
0xa2: {  	_ =	swait.ge [sflag:s8], $0xC800  }
0xa3: {  	[sflag:s8] =	ssyncset.done $0x0  }
0xa4: {  	s0 =	rddreg [dreg:$0x5];
	[sflag:s8] =	ssyncadd.s32 $0xFFFF3800  }
0xa5: {  	[hbm4b:s0+s3] =	stream.linear.scatter [tilespmem:s6], [sflag:$0x3], $0xC800, $0x38;
	[tilespmem:$0x1A900] =	vst v63  }
0xa6: {  	_ =	swait.ge [sflag:s9], $0xC800  }
0xa7: {  	[sflag:s9] =	ssyncset.done $0x0  }
0xa8: {  	[sflag:s9] =	ssyncadd.s32 $0xFFFF3800  }
0xa9: {  	[tilespmem:s6], [sflag:$0x1] =	stream.indirect.gather [hbm4b:s2+s5], $0x80, s10, s5, $0xb8;
	[tilespmem:$0x1A900] =	vst v63  }
0xaa: {  	_ =	swait.ge [sflag:s11], $0xC800  }
0xab: {  	[sflag:s11] =	ssyncset.done $0x0  }
0xac: {  	s0 =	rddreg [dreg:$0x6];
	[sflag:s11] =	ssyncadd.s32 $0xFFFF3800  }
0xad: {  	[hbm4b:s0+s3] =	stream.linear.scatter [tilespmem:s7], [sflag:$0x4], $0xC800, $0x38;
	[tilespmem:$0x1A900] =	vst v63  }
0xae: {  	_ =	swait.ge [sflag:s12], $0xC800  }
0xaf: {  	[sflag:s12] =	ssyncset.done $0x0  }
0xb0: {  	[sflag:s12] =	ssyncadd.s32 $0xFFFF3800  }
0xb1: {  	[tilespmem:s7], [sflag:$0x2] =	stream.indirect.gather [hbm4b:s2+s5], $0x80, s13, s5, $0xb8;
	[tilespmem:$0x1A900] =	vst v63  }
0xb2: {  	_ =	swait.ge [sflag:s8], $0xC800  }
0xb3: {  	[sflag:s8] =	ssyncset.done $0x0  }
0xb4: {  	s0 =	rddreg [dreg:$0x7];
	[sflag:s8] =	ssyncadd.s32 $0xFFFF3800  }
0xb5: {  	[hbm4b:s0+s3] =	stream.linear.scatter [tilespmem:s6], [sflag:$0x3], $0xC800, $0x38;
	[tilespmem:$0x1A900] =	vst v63  }
0xb6: {  	_ =	swait.ge [sflag:s9], $0xC800  }
0xb7: {  	[sflag:s9] =	ssyncset.done $0x0  }
0xb8: {  	[sflag:s9] =	ssyncadd.s32 $0xFFFF3800  }
0xb9: {  	[tilespmem:s6], [sflag:$0x1] =	stream.indirect.gather [hbm4b:s2+s5], $0x80, s14, s5, $0xb8;
	[tilespmem:$0x1A900] =	vst v63  }
0xba: {  	_ =	swait.ge [sflag:s11], $0xC800  }
0xbb: {  	[sflag:s11] =	ssyncset.done $0x0  }
0xbc: {  	s0 =	rddreg [dreg:$0x8];
	[sflag:s11] =	ssyncadd.s32 $0xFFFF3800  }
0xbd: {  	[hbm4b:s0+s3] =	stream.linear.scatter [tilespmem:s7], [sflag:$0x4], $0xC800, $0x38;
	[tilespmem:$0x1A900] =	vst v63  }
0xbe: {  	_ =	swait.ge [sflag:s12], $0xC800  }
0xbf: {  	[sflag:s12] =	ssyncset.done $0x0  }
0xc0: {  	[sflag:s12] =	ssyncadd.s32 $0xFFFF3800  }
0xc1: {  	[tilespmem:s7], [sflag:$0x2] =	stream.indirect.gather [hbm4b:s2+s5], $0x80, s15, s5, $0xb8;
	[tilespmem:$0x1A900] =	vst v63  }
0xc2: {  	_ =	swait.ge [sflag:s8], $0xC800  }
0xc3: {  	[sflag:s8] =	ssyncset.done $0x0  }
0xc4: {  	s0 =	rddreg [dreg:$0x9];
	[sflag:s8] =	ssyncadd.s32 $0xFFFF3800  }
0xc5: {  	[hbm4b:s0+s3] =	stream.linear.scatter [tilespmem:s6], [sflag:$0x3], $0xC800, $0x38;
	[tilespmem:$0x1A900] =	vst v63  }
0xc6: {  	_ =	swait.ge [sflag:s9], $0xC800  }
0xc7: {  	[sflag:s9] =	ssyncset.done $0x0  }
0xc8: {  	[sflag:s9] =	ssyncadd.s32 $0xFFFF3800  }
0xc9: {  	[tilespmem:s6], [sflag:$0x1] =	stream.indirect.gather [hbm4b:s2+s5], $0x80, s16, s5, $0xb8;
	[tilespmem:$0x1A900] =	vst v63  }
0xca: {  	_ =	swait.ge [sflag:s11], $0xC800  }
0xcb: {  	[sflag:s11] =	ssyncset.done $0x0  }
0xcc: {  	s0 =	rddreg [dreg:$0xa];
	[sflag:s11] =	ssyncadd.s32 $0xFFFF3800  }
0xcd: {  	[hbm4b:s0+s3] =	stream.linear.scatter [tilespmem:s7], [sflag:$0x4], $0xC800, $0x38;
	[tilespmem:$0x1A900] =	vst v63  }
0xce: {  	_ =	swait.ge [sflag:s12], $0xC800  }
0xcf: {  	[sflag:s12] =	ssyncset.done $0x0  }
0xd0: {  	[sflag:s12] =	ssyncadd.s32 $0xFFFF3800  }
0xd1: {  	[tilespmem:s7], [sflag:$0x2] =	stream.indirect.gather [hbm4b:s2+s5], $0x80, s17, s5, $0xb8;
	[tilespmem:$0x1A900] =	vst v63  }
0xd2: {  	_ =	swait.ge [sflag:s8], $0xC800  }
0xd3: {  	[sflag:s8] =	ssyncset.done $0x0  }
0xd4: {  	s0 =	rddreg [dreg:$0xb];
	[sflag:s8] =	ssyncadd.s32 $0xFFFF3800  }
0xd5: {  	[hbm4b:s0+s3] =	stream.linear.scatter [tilespmem:s6], [sflag:$0x3], $0xC800, $0x38;
	[tilespmem:$0x1A900] =	vst v63  }
0xd6: {  	_ =	swait.ge [sflag:s9], $0xC800  }
0xd7: {  	[sflag:s9] =	ssyncset.done $0x0  }
0xd8: {  	[sflag:s9] =	ssyncadd.s32 $0xFFFF3800  }
0xd9: {  	[tilespmem:s6], [sflag:$0x1] =	stream.indirect.gather [hbm4b:s2+s5], $0x80, s18, s5, $0xb8;
	[tilespmem:$0x1A900] =	vst v63  }
0xda: {  	_ =	swait.ge [sflag:s11], $0xC800  }
0xdb: {  	[sflag:s11] =	ssyncset.done $0x0  }
0xdc: {  	s0 =	rddreg [dreg:$0xc];
	[sflag:s11] =	ssyncadd.s32 $0xFFFF3800  }
0xdd: {  	[hbm4b:s0+s3] =	stream.linear.scatter [tilespmem:s7], [sflag:$0x4], $0xC800, $0x38;
	[tilespmem:$0x1A900] =	vst v63  }
0xde: {  	_ =	swait.ge [sflag:s12], $0xC800  }
0xdf: {  	[sflag:s12] =	ssyncset.done $0x0  }
0xe0: {  	[sflag:s12] =	ssyncadd.s32 $0xFFFF3800  }
0xe1: {  	[tilespmem:s7], [sflag:$0x2] =	stream.indirect.gather [hbm4b:s2+s5], $0x80, s19, s5, $0xb8;
	[tilespmem:$0x1A900] =	vst v63  }
0xe2: {  	_ =	swait.ge [sflag:s8], $0xC800  }
0xe3: {  	[sflag:s8] =	ssyncset.done $0x0  }
0xe4: {  	s0 =	rddreg [dreg:$0xd];
	[sflag:s8] =	ssyncadd.s32 $0xFFFF3800  }
0xe5: {  	[hbm4b:s0+s3] =	stream.linear.scatter [tilespmem:s6], [sflag:$0x3], $0xC800, $0x38;
	[tilespmem:$0x1A900] =	vst v63  }
0xe6: {  	_ =	swait.ge [sflag:s9], $0xC800  }
0xe7: {  	[sflag:s9] =	ssyncset.done $0x0  }
0xe8: {  	[sflag:s9] =	ssyncadd.s32 $0xFFFF3800  }
0xe9: {  	[tilespmem:s6], [sflag:$0x1] =	stream.indirect.gather [hbm4b:s2+s5], $0x80, s20, s5, $0xb8;
	[tilespmem:$0x1A900] =	vst v63  }
0xea: {  	_ =	swait.ge [sflag:s11], $0xC800  }
0xeb: {  	[sflag:s11] =	ssyncset.done $0x0  }
0xec: {  	s0 =	rddreg [dreg:$0xe];
	[sflag:s11] =	ssyncadd.s32 $0xFFFF3800  }
0xed: {  	[hbm4b:s0+s3] =	stream.linear.scatter [tilespmem:s7], [sflag:$0x4], $0xC800, $0x38;
	[tilespmem:$0x1A900] =	vst v63  }
0xee: {  	_ =	swait.ge [sflag:s12], $0xC800  }
0xef: {  	[sflag:s12] =	ssyncset.done $0x0  }
0xf0: {  	[sflag:s12] =	ssyncadd.s32 $0xFFFF3800  }
0xf1: {  	[tilespmem:s7], [sflag:$0x2] =	stream.indirect.gather [hbm4b:s2+s5], $0x80, s21, s5, $0xb8;
	[tilespmem:$0x1A900] =	vst v63  }
0xf2: {  	_ =	swait.ge [sflag:s8], $0xC800  }
0xf3: {  	[sflag:s8] =	ssyncset.done $0x0  }
0xf4: {  	s0 =	rddreg [dreg:$0xf];
	[sflag:s8] =	ssyncadd.s32 $0xFFFF3800  }
0xf5: {  	[hbm4b:s0+s3] =	stream.linear.scatter [tilespmem:s6], [sflag:$0x3], $0xC800, $0x38;
	[tilespmem:$0x1A900] =	vst v63  }
0xf6: {  	_ =	swait.ge [sflag:s9], $0xC800  }
0xf7: {  	[sflag:s9] =	ssyncset.done $0x0  }
0xf8: {  	[sflag:s9] =	ssyncadd.s32 $0xFFFF3800  }
0xf9: {  	[tilespmem:s6], [sflag:$0x1] =	stream.indirect.gather [hbm4b:s2+s5], $0x80, s22, s5, $0xb8;
	[tilespmem:$0x1A900] =	vst v63  }
0xfa: {  	_ =	swait.ge [sflag:s11], $0xC800  }
0xfb: {  	[sflag:s11] =	ssyncset.done $0x0  }
0xfc: {  	[sflag:s11] =	ssyncadd.s32 $0xFFFF3800  }
0xfd: {  	[hbm4b:s23+s3] =	stream.linear.scatter [tilespmem:s7], [sflag:$0x4], $0xC800, $0x38;
	[tilespmem:$0x1A900] =	vst v63  }
0xfe: {  	_ =	swait.ge [sflag:s12], $0xC800  }
0xff: {  	[sflag:s12] =	ssyncset.done $0x0  }
0x100: {  	[sflag:s12] =	ssyncadd.s32 $0xFFFF3800  }
0x101: {  	[tilespmem:s7], [sflag:$0x2] =	stream.indirect.gather [hbm4b:s2+s5], $0x80, s24, s5, $0xb8;
	[tilespmem:$0x1A900] =	vst v63  }
0x102: {  	_ =	swait.ge [sflag:s8], $0xC800  }
0x103: {  	[sflag:s8] =	ssyncset.done $0x0  }
0x104: {  	[sflag:s8] =	ssyncadd.s32 $0xFFFF3800  }
0x105: {  	[hbm4b:s25+s3] =	stream.linear.scatter [tilespmem:s6], [sflag:$0x3], $0xC800, $0x38;
	[tilespmem:$0x1A900] =	vst v63  }
0x106: {  	_ =	swait.ge [sflag:s9], $0xC800  }
0x107: {  	[sflag:s9] =	ssyncset.done $0x0  }
0x108: {  	[sflag:s9] =	ssyncadd.s32 $0xFFFF3800  }
0x109: {  	[tilespmem:s6], [sflag:$0x1] =	stream.indirect.gather [hbm4b:s2+s5], $0x80, s26, s5, $0xb8;
	[tilespmem:$0x1A900] =	vst v63  }
0x10a: {  	_ =	swait.ge [sflag:s11], $0xC800  }
0x10b: {  	[sflag:s11] =	ssyncset.done $0x0  }
0x10c: {  	[sflag:s11] =	ssyncadd.s32 $0xFFFF3800  }
0x10d: {  	[hbm4b:s28+s3] =	stream.linear.scatter [tilespmem:s7], [sflag:$0x4], $0xC800, $0x38;
	[tilespmem:$0x1A900] =	vst v63  }
0x10e: {  	_ =	swait.ge [sflag:s12], $0xC800  }
0x10f: {  	[sflag:s12] =	ssyncset.done $0x0  }
0x110: {  	[sflag:s12] =	ssyncadd.s32 $0xFFFF3800  }
0x111: {  	[tilespmem:s7], [sflag:$0x2] =	stream.indirect.gather [hbm4b:s2+s5], $0x80, s29, s5, $0xb8;
	[tilespmem:$0x1A900] =	vst v63  }
0x112: {  	_ =	swait.ge [sflag:s8], $0xC800  }
0x113: {  	[sflag:s8] =	ssyncset.done $0x0  }
0x114: {  	[sflag:s8] =	ssyncadd.s32 $0xFFFF3800  }
0x115: {  	[hbm4b:s30+s3] =	stream.linear.scatter [tilespmem:s6], [sflag:$0x3], $0xC800, $0x38;
	[tilespmem:$0x1A900] =	vst v63  }
0x116: {  	_ =	swait.ge [sflag:s11], $0xC800  }
0x117: {  	[sflag:s11] =	ssyncset.done $0x0  }
0x118: {  	p0 =	sne.s32 s1, $0x1;
	[sflag:s11] =	ssyncadd.s32 $0xFFFF3800  }
0x119: {  	[hbm4b:s31+s3] =	stream.linear.scatter [tilespmem:s7], [sflag:$0x4], $0xC800, $0x38;
	[tilespmem:$0x1A900] =	vst v63  }
.Ltmp1:
0x11a: {  	_ =	swait.ge [sflag:s9], $0xC800;
	(pc) =	sbr.rel @p0 .LBB2_1-.Ltmp1, $4  }
0x11b: {  	[sflag:s9] =	ssyncset.done $0x0  }
0x11c: {  	[sflag:s9] =	ssyncadd.s32 $0xFFFF3800  }
0x11d: {  	_ =	swait.ge [sflag:s12], $0xC800  }
0x11e: {  	s1 =	sadd.s32 $0xFFFFFFFF, s1;
	[sflag:s12] =	ssyncset.done $0x0  }
.LBB2_2:
0x11f: {  	[sflag:s12] =	ssyncadd.s32 $0xFFFF3800  }
0x120: {  	_ =	sfence.sel $0x180000  }
0x121: {  	[bflag:$0x0] =	sbarrier.arrive $0xFFFF  }
0x122: {  	_ =	strace $0x90000047  }
0x123: {  	s0 =	stileid.u32;
	[bflag:$0x2] =	sbarrier.arrive $0xFFFF  }
0x124: {  	p0 =	sne.s32 s0, $0x0;
	s0 =	rddreg [dreg:$0x3]  }
0x125: {  	s0 =	sadd.s32 @!p0 $0x100000, s0  }
0x126: {  	[sflag:s0] =	ssyncadd.tile.s32 @!p0 $0x1;
	_ =	shalt  }
.Lfunc_end2:
_tile_overlayer_lowered:
.L_overlay_start_2:
0x127: {  	(tag) =	ssettag $0x2  }
0x128: {  	s0 =	rddreg [dreg:$0x0];
	s2 =	stileid.u32  }
0x129: {  	s1 =	rddreg [dreg:$0x1];
	p0 =	sne.s32 s2, $0x0  }
0x12a: {  	s3 =	rddreg [dreg:$0x2];
	[bflag:$0x3] =	sbarrier.arrive $0xFFFF;
	s2 =	simm.s32 @!p0 $0x1C05  }
0x12b: {  	[timem:s3], [sflag:s2] =	dma.local @!p0 [hbm:s0], s1  }
0x12c: {  	s0 =	simm.s32 @!p0 $0x5  }
0x12d: {  	_ =	swait.ge @!p0 [sflag:s0], s1  }
0x12e: {  	s1 =	ssub.s32 @!p0 $0x0, s1;
	[sflag:s0] =	ssyncset.done @!p0 $0x0  }
0x12f: {  	[sflag:s0] =	ssyncadd.s32 @!p0 s1  }
0x130: {  	[bflag:$0x3] =	sbarrier.arrive $0xFFFF  }
0x131: {  	_ =	shalt  }

</sc_bundles>
